<compile_context>
chip_gen: v7x
topology: tpu7x:2x2x1
jax: 0.10.2.dev20260603
libtpu: 0.0.44.dev20260713+nightly
codegen_flags: <defaults>
</compile_context>

<pallas_src>
import functools

import jax
import jax.numpy as jnp
from jax import lax
from jax.experimental import pallas as pl
from jax.experimental.pallas import tpu as pltpu
from jax.experimental.pallas import tpu_sc as plsc

N_NODES = 10000
N_EDGES = 320000
D = 128

NC = 2
NS = 16
NW = NC * NS

C = 128
E_PER_TILE = 10240
N_CHUNKS = E_PER_TILE // C
E_PAD = E_PER_TILE * NW
N_ACC = 10240
ROWS_PER_TILE = N_ACC // NS
CPY = 128
N_CPY = ROWS_PER_TILE // CPY


H = N_CHUNKS // 2


def _sc_body(x_hbm, src_hbm, dst_hbm, psum_hbm, pcnt_hbm, src_a, dst_a,
             r0, r1, acc_sh, sem0, sem1, sem2, sem3):
    cid = lax.axis_index("c")
    sid = lax.axis_index("s")
    wid = cid * NS + sid
    row0 = sid * ROWS_PER_TILE
    chunk0 = wid * N_CHUNKS

    HC = C // 2

    def _gather_start(i, buf, sa, sb):
        pltpu.async_copy(x_hbm.at[src_a.at[i, pl.ds(0, HC)]],
                         buf.at[pl.ds(0, HC), :], sa)
        pltpu.async_copy(x_hbm.at[src_a.at[i, pl.ds(HC, HC)]],
                         buf.at[pl.ds(HC, HC), :], sb)

    def _gather_wait(i, buf, sa, sb):
        pltpu.make_async_copy(x_hbm.at[src_a.at[i, pl.ds(0, HC)]],
                              buf.at[pl.ds(0, HC), :], sa).wait()
        pltpu.make_async_copy(x_hbm.at[src_a.at[i, pl.ds(HC, HC)]],
                              buf.at[pl.ds(HC, HC), :], sb).wait()

    def _fill_rows(buf, val):
        def _row(i, _):
            for j in range(D // 16):
                buf[i, pl.ds(j * 16, 16)] = jnp.full((16,), val, jnp.float32)
            return 0

        lax.fori_loop(0, CPY, _row, 0)

    def _zero_own_rows(buf):
        for j in range(N_CPY):
            pltpu.sync_copy(buf, acc_sh.at[pl.ds(row0 + j * CPY, CPY), :])

    _fill_rows(r0, 0.0)
    _zero_own_rows(r0)
    plsc.subcore_barrier()

    for h in range(2):
        pltpu.sync_copy(src_hbm.at[pl.ds(chunk0 + h * H, H + 8), :], src_a)
        pltpu.sync_copy(dst_hbm.at[pl.ds(chunk0 + h * H, H), :], dst_a)
        _gather_start(0, r0, sem0, sem1)

        def _pair(g, _):
            i = 2 * g
            _gather_start(i + 1, r1, sem2, sem3)
            _gather_wait(i, r0, sem0, sem1)
            pltpu.sync_copy(r0, acc_sh.at[dst_a.at[i]], add=True)
            _gather_start(i + 2, r0, sem0, sem1)
            _gather_wait(i + 1, r1, sem2, sem3)
            pltpu.sync_copy(r1, acc_sh.at[dst_a.at[i + 1]], add=True)
            return 0

        lax.fori_loop(0, H // 2, _pair, 0)
        _gather_wait(0, r0, sem0, sem1)

    plsc.subcore_barrier()

    pltpu.sync_copy(acc_sh.at[pl.ds(row0, ROWS_PER_TILE), :],
                    psum_hbm.at[cid, pl.ds(row0, ROWS_PER_TILE), :])

    _fill_rows(r1, 0.0)
    _zero_own_rows(r1)
    _fill_rows(r0, 1.0)
    plsc.subcore_barrier()

    for h in (1, 0):
        if h == 0:
            pltpu.sync_copy(dst_hbm.at[pl.ds(chunk0, H), :], dst_a)
        pltpu.async_copy(r0, acc_sh.at[dst_a.at[0]], sem0, add=True)

        def _cnt_pair(g, _):
            i = 2 * g
            pltpu.async_copy(r0, acc_sh.at[dst_a.at[i + 1]], sem1, add=True)
            pltpu.make_async_copy(r0, acc_sh.at[dst_a.at[i]], sem0).wait()
            pltpu.async_copy(r0, acc_sh.at[dst_a.at[i + 2]], sem0, add=True)
            pltpu.make_async_copy(r0, acc_sh.at[dst_a.at[i + 1]], sem1).wait()
            return 0

        lax.fori_loop(0, H // 2 - 1, _cnt_pair, 0)
        i = H - 2
        pltpu.async_copy(r0, acc_sh.at[dst_a.at[i + 1]], sem1, add=True)
        pltpu.make_async_copy(r0, acc_sh.at[dst_a.at[i]], sem0).wait()
        pltpu.make_async_copy(r0, acc_sh.at[dst_a.at[i + 1]], sem1).wait()

    plsc.subcore_barrier()

    pltpu.sync_copy(acc_sh.at[pl.ds(row0, ROWS_PER_TILE), :],
                    pcnt_hbm.at[cid, pl.ds(row0, ROWS_PER_TILE), :])


_sc_aggregate = functools.partial(
    pl.kernel,
    out_type=(
        jax.ShapeDtypeStruct((NC, N_ACC, D), jnp.float32),
        jax.ShapeDtypeStruct((NC, N_ACC, D), jnp.float32),
    ),
    mesh=plsc.VectorSubcoreMesh(
        core_axis_name="c", subcore_axis_name="s", num_cores=NC, num_subcores=NS
    ),
    scratch_types=[
        pltpu.VMEM((H + 8, C), jnp.int32),
        pltpu.VMEM((H, C), jnp.int32),
        pltpu.VMEM((CPY, D), jnp.float32),
        pltpu.VMEM((CPY, D), jnp.float32),
        pltpu.VMEM_SHARED((N_ACC, D), jnp.float32),
        pltpu.SemaphoreType.DMA,
        pltpu.SemaphoreType.DMA,
        pltpu.SemaphoreType.DMA,
        pltpu.SemaphoreType.DMA,
    ],
)(_sc_body)


BLK = 1000
N_BLK = N_NODES // BLK


def _tc_body(p_ref, c_ref, x_ref, wl_ref, wr_ref, b_ref, o_ref):
    p = p_ref[...]
    s = p[0] + p[1]
    c = c_ref[...]
    cnt = (c[0] + c[1])[:, 0:1]
    mean = s / jnp.maximum(cnt, 1.0)
    h = (
        jnp.dot(mean, wl_ref[...], preferred_element_type=jnp.float32)
        + jnp.dot(x_ref[...], wr_ref[...], preferred_element_type=jnp.float32)
        + b_ref[...]
    )
    h = jnp.maximum(h, 0.0)
    m = jnp.max(h, axis=1, keepdims=True)
    lse = jnp.log(jnp.sum(jnp.exp(h - m), axis=1, keepdims=True)) + m
    o_ref[...] = h - lse


def _tc_dense(psum, pcnt, x, wlT, wrT, b2):
    return pl.pallas_call(
        _tc_body,
        grid=(N_BLK,),
        in_specs=[
            pl.BlockSpec((NC, BLK, D), lambda i: (0, i, 0)),
            pl.BlockSpec((NC, BLK, D), lambda i: (0, i, 0)),
            pl.BlockSpec((BLK, D), lambda i: (i, 0)),
            pl.BlockSpec((D, D), lambda i: (0, 0)),
            pl.BlockSpec((D, D), lambda i: (0, 0)),
            pl.BlockSpec((1, D), lambda i: (0, 0)),
        ],
        out_specs=pl.BlockSpec((BLK, D), lambda i: (i, 0)),
        out_shape=jax.ShapeDtypeStruct((N_NODES, D), jnp.float32),
    )(psum, pcnt, x, wlT, wrT, b2)


def kernel(x, edge_index, W_l, W_r, b):
    src = edge_index[0].astype(jnp.int32)
    dst = edge_index[1].astype(jnp.int32)
    src_p = jnp.concatenate(
        [src, jnp.zeros((E_PAD + 8 * C - N_EDGES,), jnp.int32)]
    ).reshape(NW * N_CHUNKS + 8, C)
    dst_p = jnp.concatenate(
        [dst, jnp.full((E_PAD - N_EDGES,), N_NODES, jnp.int32)]
    ).reshape(NW * N_CHUNKS, C)
    psum, pcnt = _sc_aggregate(x, src_p, dst_p)
    return _tc_dense(psum, pcnt, x, W_l.T, W_r.T, b.reshape(1, D))

# --- scband reference (transcript-rebuilt; emitter-appended) ---
"""Pipeline reference for scband-graph-sagemodel-60086592471684 (READ-ONLY COPY).

The authoritative reference and input builder live on the scoring server;
editing this copy changes nothing except your own understanding.
"""

import jax, jax.numpy as jnp
import numpy as np

N_NODES = 10000
N_EDGES = 320000
D = 128

def setup_inputs(seed: int = 0) -> dict:
    key = jax.random.key(seed)
    k1, k2, k3, k4, k5 = jax.random.split(key, 5)
    x = jax.random.normal(k1, (N_NODES, D), dtype=jnp.float32)
    edge_index = jax.random.randint(k2, (2, N_EDGES), 0, N_NODES, dtype=jnp.int64)
    # SAGEConv parameters: lin_l applied to aggregated neighbors, lin_r to root, bias on lin_l
    scale = 1.0 / np.sqrt(D)
    W_l = jax.random.uniform(k3, (D, D), dtype=jnp.float32, minval=-scale, maxval=scale)
    W_r = jax.random.uniform(k4, (D, D), dtype=jnp.float32, minval=-scale, maxval=scale)
    b = jax.random.uniform(k5, (D,), dtype=jnp.float32, minval=-scale, maxval=scale)
    return {"x": x, "edge_index": edge_index, "W_l": W_l, "W_r": W_r, "b": b}

def reference(x, edge_index, W_l, W_r, b):
    src = edge_index[0]
    dst = edge_index[1]
    # mean aggregation of neighbor messages (SAGEConv default aggr='mean')
    msgs = jnp.take(x, src, axis=0)                                  # gather [E, D]
    summed = jax.ops.segment_sum(msgs, dst, num_segments=N_NODES)    # scatter-add [N, D]
    cnt = jax.ops.segment_sum(jnp.ones((N_EDGES,), dtype=x.dtype), dst, num_segments=N_NODES)
    mean = summed / jnp.clip(cnt, 1.0, None)[:, None]
    # SAGEConv: out = lin_l(aggr) + lin_r(x)
    h = mean @ W_l.T + b + x @ W_r.T
    h = jax.nn.relu(h)
    # dropout is identity in eval mode
    out = jax.nn.log_softmax(h, axis=1)
    return out

if __name__ == "__main__":
    import jax
    _d = setup_inputs()
    print(jax.jit(kernel)(*tuple(_d.values())))

</pallas_src>

<mosaic_0001>
#map = affine_map<(d0, d1) -> (0, 0)>
#map1 = affine_map<(d0, d1) -> (0, 0, 0)>
module attributes {stable_mosaic.version = 14 : i64} {
  func.func @_sc_body(%arg0: i32, %arg1: i32, %arg2: memref<10000x128xf32, #tpu.memory_space<hbm>>, %arg3: memref<2568x128xi32, #tpu.memory_space<hbm>>, %arg4: memref<2560x128xi32, #tpu.memory_space<hbm>>, %arg5: memref<2x10240x128xf32, #tpu.memory_space<hbm>>, %arg6: memref<2x10240x128xf32, #tpu.memory_space<hbm>>, %arg7: memref<48x128xi32, #tpu.memory_space<vmem>>, %arg8: memref<40x128xi32, #tpu.memory_space<vmem>>, %arg9: memref<128x128xf32, #tpu.memory_space<vmem>>, %arg10: memref<128x128xf32, #tpu.memory_space<vmem>>, %arg11: memref<10240x128xf32, #tpu.memory_space<vmem_shared>>, %arg12: memref<!tpu.dma_semaphore, #tpu.memory_space<semaphore_mem>>, %arg13: memref<!tpu.dma_semaphore, #tpu.memory_space<semaphore_mem>>, %arg14: memref<!tpu.dma_semaphore, #tpu.memory_space<semaphore_mem>>, %arg15: memref<!tpu.dma_semaphore, #tpu.memory_space<semaphore_mem>>) attributes {dimension_semantics = [#tpu.dimension_semantics<core_parallel>, #tpu.dimension_semantics<subcore_parallel>], iteration_bounds = array<i64: 2, 16>, scalar_prefetch = 0 : i64, scratch_operands = 9 : i64, tpu.core_type = #tpu.core_type<sc_vector_subcore>, window_params = [{transform_indices = #map}, {transform_indices = #map}, {transform_indices = #map}, {transform_indices = #map1}, {transform_indices = #map1}]} {
    %mul3A = arith.constant 16 : i32
    %mul3A_0 = arith.muli %arg0, %mul3A : i32
    %add3A = arith.addi %mul3A_0, %arg1 : i32
    %mul3A_1 = arith.constant 640 : i32
    %mul3A_2 = arith.muli %arg1, %mul3A_1 : i32
    %mul3A_3 = arith.constant 80 : i32
    %mul3A_4 = arith.muli %add3A, %mul3A_3 : i32
    %scan3A = arith.constant 0 : i32
    %scan3A_5 = arith.constant 0 : i32
    %scan3A_6 = arith.constant 128 : i32
    %scan3A_7 = arith.addi %scan3A_5, %scan3A_6 : i32
    %scan3A_8 = arith.constant 1 : i32
    %scan3A_9 = scf.for %scan3A_218 = %scan3A_5 to %scan3A_7 step %scan3A_8 iter_args(%scan3A_219 = %scan3A) -> (i32)  : i32 {
      %broadcast_in_dim3A = arith.constant 0.000000e+00 : f32
      %broadcast_in_dim3A_220 = vector.broadcast %broadcast_in_dim3A : f32 to vector<16xf32>
      %swap3A = arith.index_cast %scan3A_218 : i32 to index
      %swap3A_221 = arith.constant 0 : index
      %swap3A_222 = tpu.vector_load %arg9[%swap3A, %swap3A_221] {strides = array<i32>} : memref<128x128xf32, #tpu.memory_space<vmem>>, vector<1x16xf32>,
      %swap3A_223 = vector.shape_cast %swap3A_222 : vector<1x16xf32> to vector<16xf32>
      %swap3A_224 = vector.shape_cast %broadcast_in_dim3A_220 : vector<16xf32> to vector<1x16xf32>
      tpu.vector_store %arg9[%swap3A, %swap3A_221], %swap3A_224 {strides = array<i32>} : memref<128x128xf32, #tpu.memory_space<vmem>>, vector<1x16xf32>,
      %broadcast_in_dim3A_225 = arith.constant 0.000000e+00 : f32
      %broadcast_in_dim3A_226 = vector.broadcast %broadcast_in_dim3A_225 : f32 to vector<16xf32>
      %swap3A_227 = arith.index_cast %scan3A_218 : i32 to index
      %swap3A_228 = arith.constant 16 : index
      %swap3A_229 = tpu.vector_load %arg9[%swap3A_227, %swap3A_228] {strides = array<i32>} : memref<128x128xf32, #tpu.memory_space<vmem>>, vector<1x16xf32>,
      %swap3A_230 = vector.shape_cast %swap3A_229 : vector<1x16xf32> to vector<16xf32>
      %swap3A_231 = vector.shape_cast %broadcast_in_dim3A_226 : vector<16xf32> to vector<1x16xf32>
      tpu.vector_store %arg9[%swap3A_227, %swap3A_228], %swap3A_231 {strides = array<i32>} : memref<128x128xf32, #tpu.memory_space<vmem>>, vector<1x16xf32>,
      %broadcast_in_dim3A_232 = arith.constant 0.000000e+00 : f32
      %broadcast_in_dim3A_233 = vector.broadcast %broadcast_in_dim3A_232 : f32 to vector<16xf32>
      %swap3A_234 = arith.index_cast %scan3A_218 : i32 to index
      %swap3A_235 = arith.constant 32 : index
      %swap3A_236 = tpu.vector_load %arg9[%swap3A_234, %swap3A_235] {strides = array<i32>} : memref<128x128xf32, #tpu.memory_space<vmem>>, vector<1x16xf32>,
      %swap3A_237 = vector.shape_cast %swap3A_236 : vector<1x16xf32> to vector<16xf32>
      %swap3A_238 = vector.shape_cast %broadcast_in_dim3A_233 : vector<16xf32> to vector<1x16xf32>
      tpu.vector_store %arg9[%swap3A_234, %swap3A_235], %swap3A_238 {strides = array<i32>} : memref<128x128xf32, #tpu.memory_space<vmem>>, vector<1x16xf32>,
      %broadcast_in_dim3A_239 = arith.constant 0.000000e+00 : f32
      %broadcast_in_dim3A_240 = vector.broadcast %broadcast_in_dim3A_239 : f32 to vector<16xf32>
      %swap3A_241 = arith.index_cast %scan3A_218 : i32 to index
      %swap3A_242 = arith.constant 48 : index
      %swap3A_243 = tpu.vector_load %arg9[%swap3A_241, %swap3A_242] {strides = array<i32>} : memref<128x128xf32, #tpu.memory_space<vmem>>, vector<1x16xf32>,
      %swap3A_244 = vector.shape_cast %swap3A_243 : vector<1x16xf32> to vector<16xf32>
      %swap3A_245 = vector.shape_cast %broadcast_in_dim3A_240 : vector<16xf32> to vector<1x16xf32>
      tpu.vector_store %arg9[%swap3A_241, %swap3A_242], %swap3A_245 {strides = array<i32>} : memref<128x128xf32, #tpu.memory_space<vmem>>, vector<1x16xf32>,
      %broadcast_in_dim3A_246 = arith.constant 0.000000e+00 : f32
      %broadcast_in_dim3A_247 = vector.broadcast %broadcast_in_dim3A_246 : f32 to vector<16xf32>
      %swap3A_248 = arith.index_cast %scan3A_218 : i32 to index
      %swap3A_249 = arith.constant 64 : index
      %swap3A_250 = tpu.vector_load %arg9[%swap3A_248, %swap3A_249] {strides = array<i32>} : memref<128x128xf32, #tpu.memory_space<vmem>>, vector<1x16xf32>,
      %swap3A_251 = vector.shape_cast %swap3A_250 : vector<1x16xf32> to vector<16xf32>
      %swap3A_252 = vector.shape_cast %broadcast_in_dim3A_247 : vector<16xf32> to vector<1x16xf32>
      tpu.vector_store %arg9[%swap3A_248, %swap3A_249], %swap3A_252 {strides = array<i32>} : memref<128x128xf32, #tpu.memory_space<vmem>>, vector<1x16xf32>,
      %broadcast_in_dim3A_253 = arith.constant 0.000000e+00 : f32
      %broadcast_in_dim3A_254 = vector.broadcast %broadcast_in_dim3A_253 : f32 to vector<16xf32>
      %swap3A_255 = arith.index_cast %scan3A_218 : i32 to index
      %swap3A_256 = arith.constant 80 : index
      %swap3A_257 = tpu.vector_load %arg9[%swap3A_255, %swap3A_256] {strides = array<i32>} : memref<128x128xf32, #tpu.memory_space<vmem>>, vector<1x16xf32>,
      %swap3A_258 = vector.shape_cast %swap3A_257 : vector<1x16xf32> to vector<16xf32>
      %swap3A_259 = vector.shape_cast %broadcast_in_dim3A_254 : vector<16xf32> to vector<1x16xf32>
      tpu.vector_store %arg9[%swap3A_255, %swap3A_256], %swap3A_259 {strides = array<i32>} : memref<128x128xf32, #tpu.memory_space<vmem>>, vector<1x16xf32>,
      %broadcast_in_dim3A_260 = arith.constant 0.000000e+00 : f32
      %broadcast_in_dim3A_261 = vector.broadcast %broadcast_in_dim3A_260 : f32 to vector<16xf32>
      %swap3A_262 = arith.index_cast %scan3A_218 : i32 to index
      %swap3A_263 = arith.constant 96 : index
      %swap3A_264 = tpu.vector_load %arg9[%swap3A_262, %swap3A_263] {strides = array<i32>} : memref<128x128xf32, #tpu.memory_space<vmem>>, vector<1x16xf32>,
      %swap3A_265 = vector.shape_cast %swap3A_264 : vector<1x16xf32> to vector<16xf32>
      %swap3A_266 = vector.shape_cast %broadcast_in_dim3A_261 : vector<16xf32> to vector<1x16xf32>
      tpu.vector_store %arg9[%swap3A_262, %swap3A_263], %swap3A_266 {strides = array<i32>} : memref<128x128xf32, #tpu.memory_space<vmem>>, vector<1x16xf32>,
      %broadcast_in_dim3A_267 = arith.constant 0.000000e+00 : f32
      %broadcast_in_dim3A_268 = vector.broadcast %broadcast_in_dim3A_267 : f32 to vector<16xf32>
      %swap3A_269 = arith.index_cast %scan3A_218 : i32 to index
      %swap3A_270 = arith.constant 112 : index
      %swap3A_271 = tpu.vector_load %arg9[%swap3A_269, %swap3A_270] {strides = array<i32>} : memref<128x128xf32, #tpu.memory_space<vmem>>, vector<1x16xf32>,
      %swap3A_272 = vector.shape_cast %swap3A_271 : vector<1x16xf32> to vector<16xf32>
      %swap3A_273 = vector.shape_cast %broadcast_in_dim3A_268 : vector<16xf32> to vector<1x16xf32>
      tpu.vector_store %arg9[%swap3A_269, %swap3A_270], %swap3A_273 {strides = array<i32>} : memref<128x128xf32, #tpu.memory_space<vmem>>, vector<1x16xf32>,
      %scan3A_274 = arith.constant 0 : i32
      scf.yield %scan3A_274 : i32
    }
    %scan3A_10 = arith.constant 128 : i32
    %add3A_11 = arith.constant 0 : i32
    %add3A_12 = arith.addi %mul3A_2, %add3A_11 : i32
    "tpu.region"() ({
      %run_scoped3A = tpu.sem_alloc : memref<!tpu.dma_semaphore, #tpu.memory_space<semaphore_mem>>
      %dma_start3A_218 = arith.constant 0 : i32
      %dma_start3A_219 = tpu.memref_slice %arg11[%add3A_12, %dma_start3A_218] : memref<10240x128xf32, #tpu.memory_space<vmem_shared>> -> memref<128x128xf32, #tpu.memory_space<vmem_shared>>
      %dma_start3A_220 = arith.constant 0 : i32
      %dma_start3A_221 = tpu.memref_slice %arg11[%add3A_12, %dma_start3A_220] : memref<10240x128xf32, #tpu.memory_space<vmem_shared>> -> memref<128x128xf32, #tpu.memory_space<vmem_shared>>
      tpu.enqueue_dma source(%arg9 : memref<128x128xf32, #tpu.memory_space<vmem>>) target(%dma_start3A_221 : memref<128x128xf32, #tpu.memory_space<vmem_shared>>) target_semaphore(%run_scoped3A : memref<!tpu.dma_semaphore, #tpu.memory_space<semaphore_mem>>)
      %dma_wait3A_222 = arith.constant 0 : i32
      %dma_wait3A_223 = tpu.memref_slice %arg11[%add3A_12, %dma_wait3A_222] : memref<10240x128xf32, #tpu.memory_space<vmem_shared>> -> memref<128x128xf32, #tpu.memory_space<vmem_shared>>
      %dma_wait3A_224 = arith.constant 0 : i32
      %dma_wait3A_225 = tpu.memref_slice %arg11[%add3A_12, %dma_wait3A_224] : memref<10240x128xf32, #tpu.memory_space<vmem_shared>> -> memref<128x128xf32, #tpu.memory_space<vmem_shared>>
      tpu.wait_dma2 semaphore(%run_scoped3A : memref<!tpu.dma_semaphore, #tpu.memory_space<semaphore_mem>>) src(%arg9 : memref<128x128xf32, #tpu.memory_space<vmem>>) dst(%dma_wait3A_225 : memref<128x128xf32, #tpu.memory_space<vmem_shared>>)
      tpu.yield
    }) : () -> ()
    %add3A_13 = arith.constant 128 : i32
    %add3A_14 = arith.addi %mul3A_2, %add3A_13 : i32
    "tpu.region"() ({
      %run_scoped3A = tpu.sem_alloc : memref<!tpu.dma_semaphore, #tpu.memory_space<semaphore_mem>>
      %dma_start3A_218 = arith.constant 0 : i32
      %dma_start3A_219 = tpu.memref_slice %arg11[%add3A_14, %dma_start3A_218] : memref<10240x128xf32, #tpu.memory_space<vmem_shared>> -> memref<128x128xf32, #tpu.memory_space<vmem_shared>>
      %dma_start3A_220 = arith.constant 0 : i32
      %dma_start3A_221 = tpu.memref_slice %arg11[%add3A_14, %dma_start3A_220] : memref<10240x128xf32, #tpu.memory_space<vmem_shared>> -> memref<128x128xf32, #tpu.memory_space<vmem_shared>>
      tpu.enqueue_dma source(%arg9 : memref<128x128xf32, #tpu.memory_space<vmem>>) target(%dma_start3A_221 : memref<128x128xf32, #tpu.memory_space<vmem_shared>>) target_semaphore(%run_scoped3A : memref<!tpu.dma_semaphore, #tpu.memory_space<semaphore_mem>>)
      %dma_wait3A_222 = arith.constant 0 : i32
      %dma_wait3A_223 = tpu.memref_slice %arg11[%add3A_14, %dma_wait3A_222] : memref<10240x128xf32, #tpu.memory_space<vmem_shared>> -> memref<128x128xf32, #tpu.memory_space<vmem_shared>>
      %dma_wait3A_224 = arith.constant 0 : i32
      %dma_wait3A_225 = tpu.memref_slice %arg11[%add3A_14, %dma_wait3A_224] : memref<10240x128xf32, #tpu.memory_space<vmem_shared>> -> memref<128x128xf32, #tpu.memory_space<vmem_shared>>
      tpu.wait_dma2 semaphore(%run_scoped3A : memref<!tpu.dma_semaphore, #tpu.memory_space<semaphore_mem>>) src(%arg9 : memref<128x128xf32, #tpu.memory_space<vmem>>) dst(%dma_wait3A_225 : memref<128x128xf32, #tpu.memory_space<vmem_shared>>)
      tpu.yield
    }) : () -> ()
    %add3A_15 = arith.constant 256 : i32
    %add3A_16 = arith.addi %mul3A_2, %add3A_15 : i32
    "tpu.region"() ({
      %run_scoped3A = tpu.sem_alloc : memref<!tpu.dma_semaphore, #tpu.memory_space<semaphore_mem>>
      %dma_start3A_218 = arith.constant 0 : i32
      %dma_start3A_219 = tpu.memref_slice %arg11[%add3A_16, %dma_start3A_218] : memref<10240x128xf32, #tpu.memory_space<vmem_shared>> -> memref<128x128xf32, #tpu.memory_space<vmem_shared>>
      %dma_start3A_220 = arith.constant 0 : i32
      %dma_start3A_221 = tpu.memref_slice %arg11[%add3A_16, %dma_start3A_220] : memref<10240x128xf32, #tpu.memory_space<vmem_shared>> -> memref<128x128xf32, #tpu.memory_space<vmem_shared>>
      tpu.enqueue_dma source(%arg9 : memref<128x128xf32, #tpu.memory_space<vmem>>) target(%dma_start3A_221 : memref<128x128xf32, #tpu.memory_space<vmem_shared>>) target_semaphore(%run_scoped3A : memref<!tpu.dma_semaphore, #tpu.memory_space<semaphore_mem>>)
      %dma_wait3A_222 = arith.constant 0 : i32
      %dma_wait3A_223 = tpu.memref_slice %arg11[%add3A_16, %dma_wait3A_222] : memref<10240x128xf32, #tpu.memory_space<vmem_shared>> -> memref<128x128xf32, #tpu.memory_space<vmem_shared>>
      %dma_wait3A_224 = arith.constant 0 : i32
      %dma_wait3A_225 = tpu.memref_slice %arg11[%add3A_16, %dma_wait3A_224] : memref<10240x128xf32, #tpu.memory_space<vmem_shared>> -> memref<128x128xf32, #tpu.memory_space<vmem_shared>>
      tpu.wait_dma2 semaphore(%run_scoped3A : memref<!tpu.dma_semaphore, #tpu.memory_space<semaphore_mem>>) src(%arg9 : memref<128x128xf32, #tpu.memory_space<vmem>>) dst(%dma_wait3A_225 : memref<128x128xf32, #tpu.memory_space<vmem_shared>>)
      tpu.yield
    }) : () -> ()
    %add3A_17 = arith.constant 384 : i32
    %add3A_18 = arith.addi %mul3A_2, %add3A_17 : i32
    "tpu.region"() ({
      %run_scoped3A = tpu.sem_alloc : memref<!tpu.dma_semaphore, #tpu.memory_space<semaphore_mem>>
      %dma_start3A_218 = arith.constant 0 : i32
      %dma_start3A_219 = tpu.memref_slice %arg11[%add3A_18, %dma_start3A_218] : memref<10240x128xf32, #tpu.memory_space<vmem_shared>> -> memref<128x128xf32, #tpu.memory_space<vmem_shared>>
      %dma_start3A_220 = arith.constant 0 : i32
      %dma_start3A_221 = tpu.memref_slice %arg11[%add3A_18, %dma_start3A_220] : memref<10240x128xf32, #tpu.memory_space<vmem_shared>> -> memref<128x128xf32, #tpu.memory_space<vmem_shared>>
      tpu.enqueue_dma source(%arg9 : memref<128x128xf32, #tpu.memory_space<vmem>>) target(%dma_start3A_221 : memref<128x128xf32, #tpu.memory_space<vmem_shared>>) target_semaphore(%run_scoped3A : memref<!tpu.dma_semaphore, #tpu.memory_space<semaphore_mem>>)
      %dma_wait3A_222 = arith.constant 0 : i32
      %dma_wait3A_223 = tpu.memref_slice %arg11[%add3A_18, %dma_wait3A_222] : memref<10240x128xf32, #tpu.memory_space<vmem_shared>> -> memref<128x128xf32, #tpu.memory_space<vmem_shared>>
      %dma_wait3A_224 = arith.constant 0 : i32
      %dma_wait3A_225 = tpu.memref_slice %arg11[%add3A_18, %dma_wait3A_224] : memref<10240x128xf32, #tpu.memory_space<vmem_shared>> -> memref<128x128xf32, #tpu.memory_space<vmem_shared>>
      tpu.wait_dma2 semaphore(%run_scoped3A : memref<!tpu.dma_semaphore, #tpu.memory_space<semaphore_mem>>) src(%arg9 : memref<128x128xf32, #tpu.memory_space<vmem>>) dst(%dma_wait3A_225 : memref<128x128xf32, #tpu.memory_space<vmem_shared>>)
      tpu.yield
    }) : () -> ()
    %add3A_19 = arith.constant 512 : i32
    %add3A_20 = arith.addi %mul3A_2, %add3A_19 : i32
    "tpu.region"() ({
      %run_scoped3A = tpu.sem_alloc : memref<!tpu.dma_semaphore, #tpu.memory_space<semaphore_mem>>
      %dma_start3A_218 = arith.constant 0 : i32
      %dma_start3A_219 = tpu.memref_slice %arg11[%add3A_20, %dma_start3A_218] : memref<10240x128xf32, #tpu.memory_space<vmem_shared>> -> memref<128x128xf32, #tpu.memory_space<vmem_shared>>
      %dma_start3A_220 = arith.constant 0 : i32
      %dma_start3A_221 = tpu.memref_slice %arg11[%add3A_20, %dma_start3A_220] : memref<10240x128xf32, #tpu.memory_space<vmem_shared>> -> memref<128x128xf32, #tpu.memory_space<vmem_shared>>
      tpu.enqueue_dma source(%arg9 : memref<128x128xf32, #tpu.memory_space<vmem>>) target(%dma_start3A_221 : memref<128x128xf32, #tpu.memory_space<vmem_shared>>) target_semaphore(%run_scoped3A : memref<!tpu.dma_semaphore, #tpu.memory_space<semaphore_mem>>)
      %dma_wait3A_222 = arith.constant 0 : i32
      %dma_wait3A_223 = tpu.memref_slice %arg11[%add3A_20, %dma_wait3A_222] : memref<10240x128xf32, #tpu.memory_space<vmem_shared>> -> memref<128x128xf32, #tpu.memory_space<vmem_shared>>
      %dma_wait3A_224 = arith.constant 0 : i32
      %dma_wait3A_225 = tpu.memref_slice %arg11[%add3A_20, %dma_wait3A_224] : memref<10240x128xf32, #tpu.memory_space<vmem_shared>> -> memref<128x128xf32, #tpu.memory_space<vmem_shared>>
      tpu.wait_dma2 semaphore(%run_scoped3A : memref<!tpu.dma_semaphore, #tpu.memory_space<semaphore_mem>>) src(%arg9 : memref<128x128xf32, #tpu.memory_space<vmem>>) dst(%dma_wait3A_225 : memref<128x128xf32, #tpu.memory_space<vmem_shared>>)
      tpu.yield
    }) : () -> ()
    %barrier3A = arith.constant 0 : index
    tpu.barrier barrier_id(%barrier3A)
    %add3A_21 = arith.constant 0 : i32
    %add3A_22 = arith.addi %mul3A_4, %add3A_21 : i32
    "tpu.region"() ({
      %run_scoped3A = tpu.sem_alloc : memref<!tpu.dma_semaphore, #tpu.memory_space<semaphore_mem>>
      %dma_start3A_218 = arith.constant 0 : i32
      %dma_start3A_219 = tpu.memref_slice %arg3[%add3A_22, %dma_start3A_218] : memref<2568x128xi32, #tpu.memory_space<hbm>> -> memref<48x128xi32, #tpu.memory_space<hbm>>
      %dma_start3A_220 = arith.constant 0 : i32
      %dma_start3A_221 = tpu.memref_slice %arg3[%add3A_22, %dma_start3A_220] : memref<2568x128xi32, #tpu.memory_space<hbm>> -> memref<48x128xi32, #tpu.memory_space<hbm>>
      tpu.enqueue_dma source(%dma_start3A_221 : memref<48x128xi32, #tpu.memory_space<hbm>>) target(%arg7 : memref<48x128xi32, #tpu.memory_space<vmem>>) target_semaphore(%run_scoped3A : memref<!tpu.dma_semaphore, #tpu.memory_space<semaphore_mem>>)
      %dma_wait3A_222 = arith.constant 0 : i32
      %dma_wait3A_223 = tpu.memref_slice %arg3[%add3A_22, %dma_wait3A_222] : memref<2568x128xi32, #tpu.memory_space<hbm>> -> memref<48x128xi32, #tpu.memory_space<hbm>>
      %dma_wait3A_224 = arith.constant 0 : i32
      %dma_wait3A_225 = tpu.memref_slice %arg3[%add3A_22, %dma_wait3A_224] : memref<2568x128xi32, #tpu.memory_space<hbm>> -> memref<48x128xi32, #tpu.memory_space<hbm>>
      tpu.wait_dma2 semaphore(%run_scoped3A : memref<!tpu.dma_semaphore, #tpu.memory_space<semaphore_mem>>) src(%dma_wait3A_225 : memref<48x128xi32, #tpu.memory_space<hbm>>) dst(%arg7 : memref<48x128xi32, #tpu.memory_space<vmem>>)
      tpu.yield
    }) : () -> ()
    %add3A_23 = arith.constant 0 : i32
    %add3A_24 = arith.addi %mul3A_4, %add3A_23 : i32
    "tpu.region"() ({
      %run_scoped3A = tpu.sem_alloc : memref<!tpu.dma_semaphore, #tpu.memory_space<semaphore_mem>>
      %dma_start3A_218 = arith.constant 0 : i32
      %dma_start3A_219 = tpu.memref_slice %arg4[%add3A_24, %dma_start3A_218] : memref<2560x128xi32, #tpu.memory_space<hbm>> -> memref<40x128xi32, #tpu.memory_space<hbm>>
      %dma_start3A_220 = arith.constant 0 : i32
      %dma_start3A_221 = tpu.memref_slice %arg4[%add3A_24, %dma_start3A_220] : memref<2560x128xi32, #tpu.memory_space<hbm>> -> memref<40x128xi32, #tpu.memory_space<hbm>>
      tpu.enqueue_dma source(%dma_start3A_221 : memref<40x128xi32, #tpu.memory_space<hbm>>) target(%arg8 : memref<40x128xi32, #tpu.memory_space<vmem>>) target_semaphore(%run_scoped3A : memref<!tpu.dma_semaphore, #tpu.memory_space<semaphore_mem>>)
      %dma_wait3A_222 = arith.constant 0 : i32
      %dma_wait3A_223 = tpu.memref_slice %arg4[%add3A_24, %dma_wait3A_222] : memref<2560x128xi32, #tpu.memory_space<hbm>> -> memref<40x128xi32, #tpu.memory_space<hbm>>
      %dma_wait3A_224 = arith.constant 0 : i32
      %dma_wait3A_225 = tpu.memref_slice %arg4[%add3A_24, %dma_wait3A_224] : memref<2560x128xi32, #tpu.memory_space<hbm>> -> memref<40x128xi32, #tpu.memory_space<hbm>>
      tpu.wait_dma2 semaphore(%run_scoped3A : memref<!tpu.dma_semaphore, #tpu.memory_space<semaphore_mem>>) src(%dma_wait3A_225 : memref<40x128xi32, #tpu.memory_space<hbm>>) dst(%arg8 : memref<40x128xi32, #tpu.memory_space<vmem>>)
      tpu.yield
    }) : () -> ()
    %dma_start3A = arith.constant 0 : i32
    %dma_start3A_25 = arith.constant 0 : i32
    %dma_start3A_26 = arith.constant 0 : i32
    %dma_start3A_27 = tpu.memref_slice %arg9[%dma_start3A_25, %dma_start3A_26] : memref<128x128xf32, #tpu.memory_space<vmem>> -> memref<64x128xf32, #tpu.memory_space<vmem>>
    %dma_start3A_28 = arith.constant 0 : i32
    %dma_start3A_29 = tpu.memref_slice %arg7[%dma_start3A, %dma_start3A_28] : memref<48x128xi32, #tpu.memory_space<vmem>> -> memref<1x64xi32, #tpu.memory_space<vmem>>
    %dma_start3A_30 = tpu.memref_squeeze %dma_start3A_29 : memref<1x64xi32, #tpu.memory_space<vmem>> -> memref<64xi32, #tpu.memory_space<vmem>>
    %dma_start3A_31 = arith.constant 0 : i32
    %dma_start3A_32 = arith.constant 0 : i32
    %dma_start3A_33 = tpu.memref_slice %arg2[%dma_start3A_31, %dma_start3A_32] : memref<10000x128xf32, #tpu.memory_space<hbm>> -> memref<10000x128xf32, #tpu.memory_space<hbm>>
    tpu.enqueue_indirect_dma source(%dma_start3A_33 : memref<10000x128xf32, #tpu.memory_space<hbm>>) target(%dma_start3A_27 : memref<64x128xf32, #tpu.memory_space<vmem>>) offsets(%dma_start3A_30 : memref<64xi32, #tpu.memory_space<vmem>>) semaphore(%arg12 : memref<!tpu.dma_semaphore, #tpu.memory_space<semaphore_mem>>)
    %dma_start3A_34 = arith.constant 0 : i32
    %dma_start3A_35 = arith.constant 64 : i32
    %dma_start3A_36 = arith.constant 0 : i32
    %dma_start3A_37 = tpu.memref_slice %arg9[%dma_start3A_35, %dma_start3A_36] : memref<128x128xf32, #tpu.memory_space<vmem>> -> memref<64x128xf32, #tpu.memory_space<vmem>>
    %dma_start3A_38 = arith.constant 64 : i32
    %dma_start3A_39 = tpu.memref_slice %arg7[%dma_start3A_34, %dma_start3A_38] : memref<48x128xi32, #tpu.memory_space<vmem>> -> memref<1x64xi32, #tpu.memory_space<vmem>>
    %dma_start3A_40 = tpu.memref_squeeze %dma_start3A_39 : memref<1x64xi32, #tpu.memory_space<vmem>> -> memref<64xi32, #tpu.memory_space<vmem>>
    %dma_start3A_41 = arith.constant 0 : i32
    %dma_start3A_42 = arith.constant 0 : i32
    %dma_start3A_43 = tpu.memref_slice %arg2[%dma_start3A_41, %dma_start3A_42] : memref<10000x128xf32, #tpu.memory_space<hbm>> -> memref<10000x128xf32, #tpu.memory_space<hbm>>
    tpu.enqueue_indirect_dma source(%dma_start3A_43 : memref<10000x128xf32, #tpu.memory_space<hbm>>) target(%dma_start3A_37 : memref<64x128xf32, #tpu.memory_space<vmem>>) offsets(%dma_start3A_40 : memref<64xi32, #tpu.memory_space<vmem>>) semaphore(%arg13 : memref<!tpu.dma_semaphore, #tpu.memory_space<semaphore_mem>>)
    %scan3A_44 = arith.constant 0 : i32
    %scan3A_45 = arith.constant 0 : i32
    %scan3A_46 = arith.constant 20 : i32
    %scan3A_47 = arith.addi %scan3A_45, %scan3A_46 : i32
    %scan3A_48 = arith.constant 1 : i32
    %scan3A_49 = scf.for %scan3A_218 = %scan3A_45 to %scan3A_47 step %scan3A_48 iter_args(%scan3A_219 = %scan3A_44) -> (i32)  : i32 {
      %mul3A_220 = arith.constant 2 : i32
      %mul3A_221 = arith.muli %mul3A_220, %scan3A_218 : i32
      %add3A_222 = arith.constant 1 : i32
      %add3A_223 = arith.addi %mul3A_221, %add3A_222 : i32
      %dma_start3A_224 = arith.constant 0 : i32
      %dma_start3A_225 = arith.constant 0 : i32
      %dma_start3A_226 = tpu.memref_slice %arg10[%dma_start3A_224, %dma_start3A_225] : memref<128x128xf32, #tpu.memory_space<vmem>> -> memref<64x128xf32, #tpu.memory_space<vmem>>
      %dma_start3A_227 = arith.constant 0 : i32
      %dma_start3A_228 = tpu.memref_slice %arg7[%add3A_223, %dma_start3A_227] : memref<48x128xi32, #tpu.memory_space<vmem>> -> memref<1x64xi32, #tpu.memory_space<vmem>>
      %dma_start3A_229 = tpu.memref_squeeze %dma_start3A_228 : memref<1x64xi32, #tpu.memory_space<vmem>> -> memref<64xi32, #tpu.memory_space<vmem>>
      %dma_start3A_230 = arith.constant 0 : i32
      %dma_start3A_231 = arith.constant 0 : i32
      %dma_start3A_232 = tpu.memref_slice %arg2[%dma_start3A_230, %dma_start3A_231] : memref<10000x128xf32, #tpu.memory_space<hbm>> -> memref<10000x128xf32, #tpu.memory_space<hbm>>
      tpu.enqueue_indirect_dma source(%dma_start3A_232 : memref<10000x128xf32, #tpu.memory_space<hbm>>) target(%dma_start3A_226 : memref<64x128xf32, #tpu.memory_space<vmem>>) offsets(%dma_start3A_229 : memref<64xi32, #tpu.memory_space<vmem>>) semaphore(%arg14 : memref<!tpu.dma_semaphore, #tpu.memory_space<semaphore_mem>>)
      %dma_start3A_233 = arith.constant 64 : i32
      %dma_start3A_234 = arith.constant 0 : i32
      %dma_start3A_235 = tpu.memref_slice %arg10[%dma_start3A_233, %dma_start3A_234] : memref<128x128xf32, #tpu.memory_space<vmem>> -> memref<64x128xf32, #tpu.memory_space<vmem>>
      %dma_start3A_236 = arith.constant 64 : i32
      %dma_start3A_237 = tpu.memref_slice %arg7[%add3A_223, %dma_start3A_236] : memref<48x128xi32, #tpu.memory_space<vmem>> -> memref<1x64xi32, #tpu.memory_space<vmem>>
      %dma_start3A_238 = tpu.memref_squeeze %dma_start3A_237 : memref<1x64xi32, #tpu.memory_space<vmem>> -> memref<64xi32, #tpu.memory_space<vmem>>
      %dma_start3A_239 = arith.constant 0 : i32
      %dma_start3A_240 = arith.constant 0 : i32
      %dma_start3A_241 = tpu.memref_slice %arg2[%dma_start3A_239, %dma_start3A_240] : memref<10000x128xf32, #tpu.memory_space<hbm>> -> memref<10000x128xf32, #tpu.memory_space<hbm>>
      tpu.enqueue_indirect_dma source(%dma_start3A_241 : memref<10000x128xf32, #tpu.memory_space<hbm>>) target(%dma_start3A_235 : memref<64x128xf32, #tpu.memory_space<vmem>>) offsets(%dma_start3A_238 : memref<64xi32, #tpu.memory_space<vmem>>) semaphore(%arg15 : memref<!tpu.dma_semaphore, #tpu.memory_space<semaphore_mem>>)
      %dma_wait3A_242 = arith.constant 0 : i32
      %dma_wait3A_243 = arith.constant 0 : i32
      %dma_wait3A_244 = tpu.memref_slice %arg9[%dma_wait3A_242, %dma_wait3A_243] : memref<128x128xf32, #tpu.memory_space<vmem>> -> memref<64x128xf32, #tpu.memory_space<vmem>>
      %dma_wait3A_245 = arith.constant 0 : i32
      %dma_wait3A_246 = tpu.memref_slice %arg7[%mul3A_221, %dma_wait3A_245] : memref<48x128xi32, #tpu.memory_space<vmem>> -> memref<1x64xi32, #tpu.memory_space<vmem>>
      %dma_wait3A_247 = tpu.memref_squeeze %dma_wait3A_246 : memref<1x64xi32, #tpu.memory_space<vmem>> -> memref<64xi32, #tpu.memory_space<vmem>>
      %dma_wait3A_248 = arith.constant 0 : i32
      %dma_wait3A_249 = arith.constant 0 : i32
      %dma_wait3A_250 = tpu.memref_slice %arg2[%dma_wait3A_248, %dma_wait3A_249] : memref<10000x128xf32, #tpu.memory_space<hbm>> -> memref<10000x128xf32, #tpu.memory_space<hbm>>
      tpu.wait_indirect_dma semaphore(%arg12 : memref<!tpu.dma_semaphore, #tpu.memory_space<semaphore_mem>>) src(%dma_wait3A_250 : memref<10000x128xf32, #tpu.memory_space<hbm>>) dst(%dma_wait3A_244 : memref<64x128xf32, #tpu.memory_space<vmem>>)
      %dma_wait3A_251 = arith.constant 64 : i32
      %dma_wait3A_252 = arith.constant 0 : i32
      %dma_wait3A_253 = tpu.memref_slice %arg9[%dma_wait3A_251, %dma_wait3A_252] : memref<128x128xf32, #tpu.memory_space<vmem>> -> memref<64x128xf32, #tpu.memory_space<vmem>>
      %dma_wait3A_254 = arith.constant 64 : i32
      %dma_wait3A_255 = tpu.memref_slice %arg7[%mul3A_221, %dma_wait3A_254] : memref<48x128xi32, #tpu.memory_space<vmem>> -> memref<1x64xi32, #tpu.memory_space<vmem>>
      %dma_wait3A_256 = tpu.memref_squeeze %dma_wait3A_255 : memref<1x64xi32, #tpu.memory_space<vmem>> -> memref<64xi32, #tpu.memory_space<vmem>>
      %dma_wait3A_257 = arith.constant 0 : i32
      %dma_wait3A_258 = arith.constant 0 : i32
      %dma_wait3A_259 = tpu.memref_slice %arg2[%dma_wait3A_257, %dma_wait3A_258] : memref<10000x128xf32, #tpu.memory_space<hbm>> -> memref<10000x128xf32, #tpu.memory_space<hbm>>
      tpu.wait_indirect_dma semaphore(%arg13 : memref<!tpu.dma_semaphore, #tpu.memory_space<semaphore_mem>>) src(%dma_wait3A_259 : memref<10000x128xf32, #tpu.memory_space<hbm>>) dst(%dma_wait3A_253 : memref<64x128xf32, #tpu.memory_space<vmem>>)
      "tpu.region"() ({
        %run_scoped3A = tpu.sem_alloc : memref<!tpu.dma_semaphore, #tpu.memory_space<semaphore_mem>>
        %dma_start3A_303 = arith.constant 0 : i32
        %dma_start3A_304 = tpu.memref_slice %arg8[%mul3A_221, %dma_start3A_303] : memref<40x128xi32, #tpu.memory_space<vmem>> -> memref<1x128xi32, #tpu.memory_space<vmem>>
        %dma_start3A_305 = tpu.memref_squeeze %dma_start3A_304 : memref<1x128xi32, #tpu.memory_space<vmem>> -> memref<128xi32, #tpu.memory_space<vmem>>
        %dma_start3A_306 = arith.constant 0 : i32
        %dma_start3A_307 = arith.constant 0 : i32
        %dma_start3A_308 = tpu.memref_slice %arg11[%dma_start3A_306, %dma_start3A_307] : memref<10240x128xf32, #tpu.memory_space<vmem_shared>> -> memref<10240x128xf32, #tpu.memory_space<vmem_shared>>
        tpu.enqueue_indirect_dma source(%arg9 : memref<128x128xf32, #tpu.memory_space<vmem>>) target(%dma_start3A_308 : memref<10240x128xf32, #tpu.memory_space<vmem_shared>>) offsets(%dma_start3A_305 : memref<128xi32, #tpu.memory_space<vmem>>) semaphore(%run_scoped3A : memref<!tpu.dma_semaphore, #tpu.memory_space<semaphore_mem>>) {add = true}
        %dma_wait3A_309 = arith.constant 0 : i32
        %dma_wait3A_310 = tpu.memref_slice %arg8[%mul3A_221, %dma_wait3A_309] : memref<40x128xi32, #tpu.memory_space<vmem>> -> memref<1x128xi32, #tpu.memory_space<vmem>>
        %dma_wait3A_311 = tpu.memref_squeeze %dma_wait3A_310 : memref<1x128xi32, #tpu.memory_space<vmem>> -> memref<128xi32, #tpu.memory_space<vmem>>
        %dma_wait3A_312 = arith.constant 0 : i32
        %dma_wait3A_313 = arith.constant 0 : i32
        %dma_wait3A_314 = tpu.memref_slice %arg11[%dma_wait3A_312, %dma_wait3A_313] : memref<10240x128xf32, #tpu.memory_space<vmem_shared>> -> memref<10240x128xf32, #tpu.memory_space<vmem_shared>>
        tpu.wait_indirect_dma semaphore(%run_scoped3A : memref<!tpu.dma_semaphore, #tpu.memory_space<semaphore_mem>>) src(%arg9 : memref<128x128xf32, #tpu.memory_space<vmem>>) dst(%dma_wait3A_314 : memref<10240x128xf32, #tpu.memory_space<vmem_shared>>)
        tpu.yield
      }) : () -> ()
      %add3A_260 = arith.constant 2 : i32
      %add3A_261 = arith.addi %mul3A_221, %add3A_260 : i32
      %dma_start3A_262 = arith.constant 0 : i32
      %dma_start3A_263 = arith.constant 0 : i32
      %dma_start3A_264 = tpu.memref_slice %arg9[%dma_start3A_262, %dma_start3A_263] : memref<128x128xf32, #tpu.memory_space<vmem>> -> memref<64x128xf32, #tpu.memory_space<vmem>>
      %dma_start3A_265 = arith.constant 0 : i32
      %dma_start3A_266 = tpu.memref_slice %arg7[%add3A_261, %dma_start3A_265] : memref<48x128xi32, #tpu.memory_space<vmem>> -> memref<1x64xi32, #tpu.memory_space<vmem>>
      %dma_start3A_267 = tpu.memref_squeeze %dma_start3A_266 : memref<1x64xi32, #tpu.memory_space<vmem>> -> memref<64xi32, #tpu.memory_space<vmem>>
      %dma_start3A_268 = arith.constant 0 : i32
      %dma_start3A_269 = arith.constant 0 : i32
      %dma_start3A_270 = tpu.memref_slice %arg2[%dma_start3A_268, %dma_start3A_269] : memref<10000x128xf32, #tpu.memory_space<hbm>> -> memref<10000x128xf32, #tpu.memory_space<hbm>>
      tpu.enqueue_indirect_dma source(%dma_start3A_270 : memref<10000x128xf32, #tpu.memory_space<hbm>>) target(%dma_start3A_264 : memref<64x128xf32, #tpu.memory_space<vmem>>) offsets(%dma_start3A_267 : memref<64xi32, #tpu.memory_space<vmem>>) semaphore(%arg12 : memref<!tpu.dma_semaphore, #tpu.memory_space<semaphore_mem>>)
      %dma_start3A_271 = arith.constant 64 : i32
      %dma_start3A_272 = arith.constant 0 : i32
      %dma_start3A_273 = tpu.memref_slice %arg9[%dma_start3A_271, %dma_start3A_272] : memref<128x128xf32, #tpu.memory_space<vmem>> -> memref<64x128xf32, #tpu.memory_space<vmem>>
      %dma_start3A_274 = arith.constant 64 : i32
      %dma_start3A_275 = tpu.memref_slice %arg7[%add3A_261, %dma_start3A_274] : memref<48x128xi32, #tpu.memory_space<vmem>> -> memref<1x64xi32, #tpu.memory_space<vmem>>
      %dma_start3A_276 = tpu.memref_squeeze %dma_start3A_275 : memref<1x64xi32, #tpu.memory_space<vmem>> -> memref<64xi32, #tpu.memory_space<vmem>>
      %dma_start3A_277 = arith.constant 0 : i32
      %dma_start3A_278 = arith.constant 0 : i32
      %dma_start3A_279 = tpu.memref_slice %arg2[%dma_start3A_277, %dma_start3A_278] : memref<10000x128xf32, #tpu.memory_space<hbm>> -> memref<10000x128xf32, #tpu.memory_space<hbm>>
      tpu.enqueue_indirect_dma source(%dma_start3A_279 : memref<10000x128xf32, #tpu.memory_space<hbm>>) target(%dma_start3A_273 : memref<64x128xf32, #tpu.memory_space<vmem>>) offsets(%dma_start3A_276 : memref<64xi32, #tpu.memory_space<vmem>>) semaphore(%arg13 : memref<!tpu.dma_semaphore, #tpu.memory_space<semaphore_mem>>)
      %add3A_280 = arith.constant 1 : i32
      %add3A_281 = arith.addi %mul3A_221, %add3A_280 : i32
      %dma_wait3A_282 = arith.constant 0 : i32
      %dma_wait3A_283 = arith.constant 0 : i32
      %dma_wait3A_284 = tpu.memref_slice %arg10[%dma_wait3A_282, %dma_wait3A_283] : memref<128x128xf32, #tpu.memory_space<vmem>> -> memref<64x128xf32, #tpu.memory_space<vmem>>
      %dma_wait3A_285 = arith.constant 0 : i32
      %dma_wait3A_286 = tpu.memref_slice %arg7[%add3A_281, %dma_wait3A_285] : memref<48x128xi32, #tpu.memory_space<vmem>> -> memref<1x64xi32, #tpu.memory_space<vmem>>
      %dma_wait3A_287 = tpu.memref_squeeze %dma_wait3A_286 : memref<1x64xi32, #tpu.memory_space<vmem>> -> memref<64xi32, #tpu.memory_space<vmem>>
      %dma_wait3A_288 = arith.constant 0 : i32
      %dma_wait3A_289 = arith.constant 0 : i32
      %dma_wait3A_290 = tpu.memref_slice %arg2[%dma_wait3A_288, %dma_wait3A_289] : memref<10000x128xf32, #tpu.memory_space<hbm>> -> memref<10000x128xf32, #tpu.memory_space<hbm>>
      tpu.wait_indirect_dma semaphore(%arg14 : memref<!tpu.dma_semaphore, #tpu.memory_space<semaphore_mem>>) src(%dma_wait3A_290 : memref<10000x128xf32, #tpu.memory_space<hbm>>) dst(%dma_wait3A_284 : memref<64x128xf32, #tpu.memory_space<vmem>>)
      %dma_wait3A_291 = arith.constant 64 : i32
      %dma_wait3A_292 = arith.constant 0 : i32
      %dma_wait3A_293 = tpu.memref_slice %arg10[%dma_wait3A_291, %dma_wait3A_292] : memref<128x128xf32, #tpu.memory_space<vmem>> -> memref<64x128xf32, #tpu.memory_space<vmem>>
      %dma_wait3A_294 = arith.constant 64 : i32
      %dma_wait3A_295 = tpu.memref_slice %arg7[%add3A_281, %dma_wait3A_294] : memref<48x128xi32, #tpu.memory_space<vmem>> -> memref<1x64xi32, #tpu.memory_space<vmem>>
      %dma_wait3A_296 = tpu.memref_squeeze %dma_wait3A_295 : memref<1x64xi32, #tpu.memory_space<vmem>> -> memref<64xi32, #tpu.memory_space<vmem>>
      %dma_wait3A_297 = arith.constant 0 : i32
      %dma_wait3A_298 = arith.constant 0 : i32
      %dma_wait3A_299 = tpu.memref_slice %arg2[%dma_wait3A_297, %dma_wait3A_298] : memref<10000x128xf32, #tpu.memory_space<hbm>> -> memref<10000x128xf32, #tpu.memory_space<hbm>>
      tpu.wait_indirect_dma semaphore(%arg15 : memref<!tpu.dma_semaphore, #tpu.memory_space<semaphore_mem>>) src(%dma_wait3A_299 : memref<10000x128xf32, #tpu.memory_space<hbm>>) dst(%dma_wait3A_293 : memref<64x128xf32, #tpu.memory_space<vmem>>)
      %add3A_300 = arith.constant 1 : i32
      %add3A_301 = arith.addi %mul3A_221, %add3A_300 : i32
      "tpu.region"() ({
        %run_scoped3A = tpu.sem_alloc : memref<!tpu.dma_semaphore, #tpu.memory_space<semaphore_mem>>
        %dma_start3A_303 = arith.constant 0 : i32
        %dma_start3A_304 = tpu.memref_slice %arg8[%add3A_301, %dma_start3A_303] : memref<40x128xi32, #tpu.memory_space<vmem>> -> memref<1x128xi32, #tpu.memory_space<vmem>>
        %dma_start3A_305 = tpu.memref_squeeze %dma_start3A_304 : memref<1x128xi32, #tpu.memory_space<vmem>> -> memref<128xi32, #tpu.memory_space<vmem>>
        %dma_start3A_306 = arith.constant 0 : i32
        %dma_start3A_307 = arith.constant 0 : i32
        %dma_start3A_308 = tpu.memref_slice %arg11[%dma_start3A_306, %dma_start3A_307] : memref<10240x128xf32, #tpu.memory_space<vmem_shared>> -> memref<10240x128xf32, #tpu.memory_space<vmem_shared>>
        tpu.enqueue_indirect_dma source(%arg10 : memref<128x128xf32, #tpu.memory_space<vmem>>) target(%dma_start3A_308 : memref<10240x128xf32, #tpu.memory_space<vmem_shared>>) offsets(%dma_start3A_305 : memref<128xi32, #tpu.memory_space<vmem>>) semaphore(%run_scoped3A : memref<!tpu.dma_semaphore, #tpu.memory_space<semaphore_mem>>) {add = true}
        %dma_wait3A_309 = arith.constant 0 : i32
        %dma_wait3A_310 = tpu.memref_slice %arg8[%add3A_301, %dma_wait3A_309] : memref<40x128xi32, #tpu.memory_space<vmem>> -> memref<1x128xi32, #tpu.memory_space<vmem>>
        %dma_wait3A_311 = tpu.memref_squeeze %dma_wait3A_310 : memref<1x128xi32, #tpu.memory_space<vmem>> -> memref<128xi32, #tpu.memory_space<vmem>>
        %dma_wait3A_312 = arith.constant 0 : i32
        %dma_wait3A_313 = arith.constant 0 : i32
        %dma_wait3A_314 = tpu.memref_slice %arg11[%dma_wait3A_312, %dma_wait3A_313] : memref<10240x128xf32, #tpu.memory_space<vmem_shared>> -> memref<10240x128xf32, #tpu.memory_space<vmem_shared>>
        tpu.wait_indirect_dma semaphore(%run_scoped3A : memref<!tpu.dma_semaphore, #tpu.memory_space<semaphore_mem>>) src(%arg10 : memref<128x128xf32, #tpu.memory_space<vmem>>) dst(%dma_wait3A_314 : memref<10240x128xf32, #tpu.memory_space<vmem_shared>>)
        tpu.yield
      }) : () -> ()
      %scan3A_302 = arith.constant 0 : i32
      scf.yield %scan3A_302 : i32
    }
    %scan3A_50 = arith.constant 20 : i32
    %dma_wait3A = arith.constant 0 : i32
    %dma_wait3A_51 = arith.constant 0 : i32
    %dma_wait3A_52 = arith.constant 0 : i32
    %dma_wait3A_53 = tpu.memref_slice %arg9[%dma_wait3A_51, %dma_wait3A_52] : memref<128x128xf32, #tpu.memory_space<vmem>> -> memref<64x128xf32, #tpu.memory_space<vmem>>
    %dma_wait3A_54 = arith.constant 0 : i32
    %dma_wait3A_55 = tpu.memref_slice %arg7[%dma_wait3A, %dma_wait3A_54] : memref<48x128xi32, #tpu.memory_space<vmem>> -> memref<1x64xi32, #tpu.memory_space<vmem>>
    %dma_wait3A_56 = tpu.memref_squeeze %dma_wait3A_55 : memref<1x64xi32, #tpu.memory_space<vmem>> -> memref<64xi32, #tpu.memory_space<vmem>>
    %dma_wait3A_57 = arith.constant 0 : i32
    %dma_wait3A_58 = arith.constant 0 : i32
    %dma_wait3A_59 = tpu.memref_slice %arg2[%dma_wait3A_57, %dma_wait3A_58] : memref<10000x128xf32, #tpu.memory_space<hbm>> -> memref<10000x128xf32, #tpu.memory_space<hbm>>
    tpu.wait_indirect_dma semaphore(%arg12 : memref<!tpu.dma_semaphore, #tpu.memory_space<semaphore_mem>>) src(%dma_wait3A_59 : memref<10000x128xf32, #tpu.memory_space<hbm>>) dst(%dma_wait3A_53 : memref<64x128xf32, #tpu.memory_space<vmem>>)
    %dma_wait3A_60 = arith.constant 0 : i32
    %dma_wait3A_61 = arith.constant 64 : i32
    %dma_wait3A_62 = arith.constant 0 : i32
    %dma_wait3A_63 = tpu.memref_slice %arg9[%dma_wait3A_61, %dma_wait3A_62] : memref<128x128xf32, #tpu.memory_space<vmem>> -> memref<64x128xf32, #tpu.memory_space<vmem>>
    %dma_wait3A_64 = arith.constant 64 : i32
    %dma_wait3A_65 = tpu.memref_slice %arg7[%dma_wait3A_60, %dma_wait3A_64] : memref<48x128xi32, #tpu.memory_space<vmem>> -> memref<1x64xi32, #tpu.memory_space<vmem>>
    %dma_wait3A_66 = tpu.memref_squeeze %dma_wait3A_65 : memref<1x64xi32, #tpu.memory_space<vmem>> -> memref<64xi32, #tpu.memory_space<vmem>>
    %dma_wait3A_67 = arith.constant 0 : i32
    %dma_wait3A_68 = arith.constant 0 : i32
    %dma_wait3A_69 = tpu.memref_slice %arg2[%dma_wait3A_67, %dma_wait3A_68] : memref<10000x128xf32, #tpu.memory_space<hbm>> -> memref<10000x128xf32, #tpu.memory_space<hbm>>
    tpu.wait_indirect_dma semaphore(%arg13 : memref<!tpu.dma_semaphore, #tpu.memory_space<semaphore_mem>>) src(%dma_wait3A_69 : memref<10000x128xf32, #tpu.memory_space<hbm>>) dst(%dma_wait3A_63 : memref<64x128xf32, #tpu.memory_space<vmem>>)
    %add3A_70 = arith.constant 40 : i32
    %add3A_71 = arith.addi %mul3A_4, %add3A_70 : i32
    "tpu.region"() ({
      %run_scoped3A = tpu.sem_alloc : memref<!tpu.dma_semaphore, #tpu.memory_space<semaphore_mem>>
      %dma_start3A_218 = arith.constant 0 : i32
      %dma_start3A_219 = tpu.memref_slice %arg3[%add3A_71, %dma_start3A_218] : memref<2568x128xi32, #tpu.memory_space<hbm>> -> memref<48x128xi32, #tpu.memory_space<hbm>>
      %dma_start3A_220 = arith.constant 0 : i32
      %dma_start3A_221 = tpu.memref_slice %arg3[%add3A_71, %dma_start3A_220] : memref<2568x128xi32, #tpu.memory_space<hbm>> -> memref<48x128xi32, #tpu.memory_space<hbm>>
      tpu.enqueue_dma source(%dma_start3A_221 : memref<48x128xi32, #tpu.memory_space<hbm>>) target(%arg7 : memref<48x128xi32, #tpu.memory_space<vmem>>) target_semaphore(%run_scoped3A : memref<!tpu.dma_semaphore, #tpu.memory_space<semaphore_mem>>)
      %dma_wait3A_222 = arith.constant 0 : i32
      %dma_wait3A_223 = tpu.memref_slice %arg3[%add3A_71, %dma_wait3A_222] : memref<2568x128xi32, #tpu.memory_space<hbm>> -> memref<48x128xi32, #tpu.memory_space<hbm>>
      %dma_wait3A_224 = arith.constant 0 : i32
      %dma_wait3A_225 = tpu.memref_slice %arg3[%add3A_71, %dma_wait3A_224] : memref<2568x128xi32, #tpu.memory_space<hbm>> -> memref<48x128xi32, #tpu.memory_space<hbm>>
      tpu.wait_dma2 semaphore(%run_scoped3A : memref<!tpu.dma_semaphore, #tpu.memory_space<semaphore_mem>>) src(%dma_wait3A_225 : memref<48x128xi32, #tpu.memory_space<hbm>>) dst(%arg7 : memref<48x128xi32, #tpu.memory_space<vmem>>)
      tpu.yield
    }) : () -> ()
    %add3A_72 = arith.constant 40 : i32
    %add3A_73 = arith.addi %mul3A_4, %add3A_72 : i32
    "tpu.region"() ({
      %run_scoped3A = tpu.sem_alloc : memref<!tpu.dma_semaphore, #tpu.memory_space<semaphore_mem>>
      %dma_start3A_218 = arith.constant 0 : i32
      %dma_start3A_219 = tpu.memref_slice %arg4[%add3A_73, %dma_start3A_218] : memref<2560x128xi32, #tpu.memory_space<hbm>> -> memref<40x128xi32, #tpu.memory_space<hbm>>
      %dma_start3A_220 = arith.constant 0 : i32
      %dma_start3A_221 = tpu.memref_slice %arg4[%add3A_73, %dma_start3A_220] : memref<2560x128xi32, #tpu.memory_space<hbm>> -> memref<40x128xi32, #tpu.memory_space<hbm>>
      tpu.enqueue_dma source(%dma_start3A_221 : memref<40x128xi32, #tpu.memory_space<hbm>>) target(%arg8 : memref<40x128xi32, #tpu.memory_space<vmem>>) target_semaphore(%run_scoped3A : memref<!tpu.dma_semaphore, #tpu.memory_space<semaphore_mem>>)
      %dma_wait3A_222 = arith.constant 0 : i32
      %dma_wait3A_223 = tpu.memref_slice %arg4[%add3A_73, %dma_wait3A_222] : memref<2560x128xi32, #tpu.memory_space<hbm>> -> memref<40x128xi32, #tpu.memory_space<hbm>>
      %dma_wait3A_224 = arith.constant 0 : i32
      %dma_wait3A_225 = tpu.memref_slice %arg4[%add3A_73, %dma_wait3A_224] : memref<2560x128xi32, #tpu.memory_space<hbm>> -> memref<40x128xi32, #tpu.memory_space<hbm>>
      tpu.wait_dma2 semaphore(%run_scoped3A : memref<!tpu.dma_semaphore, #tpu.memory_space<semaphore_mem>>) src(%dma_wait3A_225 : memref<40x128xi32, #tpu.memory_space<hbm>>) dst(%arg8 : memref<40x128xi32, #tpu.memory_space<vmem>>)
      tpu.yield
    }) : () -> ()
    %dma_start3A_74 = arith.constant 0 : i32
    %dma_start3A_75 = arith.constant 0 : i32
    %dma_start3A_76 = arith.constant 0 : i32
    %dma_start3A_77 = tpu.memref_slice %arg9[%dma_start3A_75, %dma_start3A_76] : memref<128x128xf32, #tpu.memory_space<vmem>> -> memref<64x128xf32, #tpu.memory_space<vmem>>
    %dma_start3A_78 = arith.constant 0 : i32
    %dma_start3A_79 = tpu.memref_slice %arg7[%dma_start3A_74, %dma_start3A_78] : memref<48x128xi32, #tpu.memory_space<vmem>> -> memref<1x64xi32, #tpu.memory_space<vmem>>
    %dma_start3A_80 = tpu.memref_squeeze %dma_start3A_79 : memref<1x64xi32, #tpu.memory_space<vmem>> -> memref<64xi32, #tpu.memory_space<vmem>>
    %dma_start3A_81 = arith.constant 0 : i32
    %dma_start3A_82 = arith.constant 0 : i32
    %dma_start3A_83 = tpu.memref_slice %arg2[%dma_start3A_81, %dma_start3A_82] : memref<10000x128xf32, #tpu.memory_space<hbm>> -> memref<10000x128xf32, #tpu.memory_space<hbm>>
    tpu.enqueue_indirect_dma source(%dma_start3A_83 : memref<10000x128xf32, #tpu.memory_space<hbm>>) target(%dma_start3A_77 : memref<64x128xf32, #tpu.memory_space<vmem>>) offsets(%dma_start3A_80 : memref<64xi32, #tpu.memory_space<vmem>>) semaphore(%arg12 : memref<!tpu.dma_semaphore, #tpu.memory_space<semaphore_mem>>)
    %dma_start3A_84 = arith.constant 0 : i32
    %dma_start3A_85 = arith.constant 64 : i32
    %dma_start3A_86 = arith.constant 0 : i32
    %dma_start3A_87 = tpu.memref_slice %arg9[%dma_start3A_85, %dma_start3A_86] : memref<128x128xf32, #tpu.memory_space<vmem>> -> memref<64x128xf32, #tpu.memory_space<vmem>>
    %dma_start3A_88 = arith.constant 64 : i32
    %dma_start3A_89 = tpu.memref_slice %arg7[%dma_start3A_84, %dma_start3A_88] : memref<48x128xi32, #tpu.memory_space<vmem>> -> memref<1x64xi32, #tpu.memory_space<vmem>>
    %dma_start3A_90 = tpu.memref_squeeze %dma_start3A_89 : memref<1x64xi32, #tpu.memory_space<vmem>> -> memref<64xi32, #tpu.memory_space<vmem>>
    %dma_start3A_91 = arith.constant 0 : i32
    %dma_start3A_92 = arith.constant 0 : i32
    %dma_start3A_93 = tpu.memref_slice %arg2[%dma_start3A_91, %dma_start3A_92] : memref<10000x128xf32, #tpu.memory_space<hbm>> -> memref<10000x128xf32, #tpu.memory_space<hbm>>
    tpu.enqueue_indirect_dma source(%dma_start3A_93 : memref<10000x128xf32, #tpu.memory_space<hbm>>) target(%dma_start3A_87 : memref<64x128xf32, #tpu.memory_space<vmem>>) offsets(%dma_start3A_90 : memref<64xi32, #tpu.memory_space<vmem>>) semaphore(%arg13 : memref<!tpu.dma_semaphore, #tpu.memory_space<semaphore_mem>>)
    %scan3A_94 = arith.constant 0 : i32
    %scan3A_95 = arith.constant 0 : i32
    %scan3A_96 = arith.constant 20 : i32
    %scan3A_97 = arith.addi %scan3A_95, %scan3A_96 : i32
    %scan3A_98 = arith.constant 1 : i32
    %scan3A_99 = scf.for %scan3A_218 = %scan3A_95 to %scan3A_97 step %scan3A_98 iter_args(%scan3A_219 = %scan3A_94) -> (i32)  : i32 {
      %mul3A_220 = arith.constant 2 : i32
      %mul3A_221 = arith.muli %mul3A_220, %scan3A_218 : i32
      %add3A_222 = arith.constant 1 : i32
      %add3A_223 = arith.addi %mul3A_221, %add3A_222 : i32
      %dma_start3A_224 = arith.constant 0 : i32
      %dma_start3A_225 = arith.constant 0 : i32
      %dma_start3A_226 = tpu.memref_slice %arg10[%dma_start3A_224, %dma_start3A_225] : memref<128x128xf32, #tpu.memory_space<vmem>> -> memref<64x128xf32, #tpu.memory_space<vmem>>
      %dma_start3A_227 = arith.constant 0 : i32
      %dma_start3A_228 = tpu.memref_slice %arg7[%add3A_223, %dma_start3A_227] : memref<48x128xi32, #tpu.memory_space<vmem>> -> memref<1x64xi32, #tpu.memory_space<vmem>>
      %dma_start3A_229 = tpu.memref_squeeze %dma_start3A_228 : memref<1x64xi32, #tpu.memory_space<vmem>> -> memref<64xi32, #tpu.memory_space<vmem>>
      %dma_start3A_230 = arith.constant 0 : i32
      %dma_start3A_231 = arith.constant 0 : i32
      %dma_start3A_232 = tpu.memref_slice %arg2[%dma_start3A_230, %dma_start3A_231] : memref<10000x128xf32, #tpu.memory_space<hbm>> -> memref<10000x128xf32, #tpu.memory_space<hbm>>
      tpu.enqueue_indirect_dma source(%dma_start3A_232 : memref<10000x128xf32, #tpu.memory_space<hbm>>) target(%dma_start3A_226 : memref<64x128xf32, #tpu.memory_space<vmem>>) offsets(%dma_start3A_229 : memref<64xi32, #tpu.memory_space<vmem>>) semaphore(%arg14 : memref<!tpu.dma_semaphore, #tpu.memory_space<semaphore_mem>>)
      %dma_start3A_233 = arith.constant 64 : i32
      %dma_start3A_234 = arith.constant 0 : i32
      %dma_start3A_235 = tpu.memref_slice %arg10[%dma_start3A_233, %dma_start3A_234] : memref<128x128xf32, #tpu.memory_space<vmem>> -> memref<64x128xf32, #tpu.memory_space<vmem>>
      %dma_start3A_236 = arith.constant 64 : i32
      %dma_start3A_237 = tpu.memref_slice %arg7[%add3A_223, %dma_start3A_236] : memref<48x128xi32, #tpu.memory_space<vmem>> -> memref<1x64xi32, #tpu.memory_space<vmem>>
      %dma_start3A_238 = tpu.memref_squeeze %dma_start3A_237 : memref<1x64xi32, #tpu.memory_space<vmem>> -> memref<64xi32, #tpu.memory_space<vmem>>
      %dma_start3A_239 = arith.constant 0 : i32
      %dma_start3A_240 = arith.constant 0 : i32
      %dma_start3A_241 = tpu.memref_slice %arg2[%dma_start3A_239, %dma_start3A_240] : memref<10000x128xf32, #tpu.memory_space<hbm>> -> memref<10000x128xf32, #tpu.memory_space<hbm>>
      tpu.enqueue_indirect_dma source(%dma_start3A_241 : memref<10000x128xf32, #tpu.memory_space<hbm>>) target(%dma_start3A_235 : memref<64x128xf32, #tpu.memory_space<vmem>>) offsets(%dma_start3A_238 : memref<64xi32, #tpu.memory_space<vmem>>) semaphore(%arg15 : memref<!tpu.dma_semaphore, #tpu.memory_space<semaphore_mem>>)
      %dma_wait3A_242 = arith.constant 0 : i32
      %dma_wait3A_243 = arith.constant 0 : i32
      %dma_wait3A_244 = tpu.memref_slice %arg9[%dma_wait3A_242, %dma_wait3A_243] : memref<128x128xf32, #tpu.memory_space<vmem>> -> memref<64x128xf32, #tpu.memory_space<vmem>>
      %dma_wait3A_245 = arith.constant 0 : i32
      %dma_wait3A_246 = tpu.memref_slice %arg7[%mul3A_221, %dma_wait3A_245] : memref<48x128xi32, #tpu.memory_space<vmem>> -> memref<1x64xi32, #tpu.memory_space<vmem>>
      %dma_wait3A_247 = tpu.memref_squeeze %dma_wait3A_246 : memref<1x64xi32, #tpu.memory_space<vmem>> -> memref<64xi32, #tpu.memory_space<vmem>>
      %dma_wait3A_248 = arith.constant 0 : i32
      %dma_wait3A_249 = arith.constant 0 : i32
      %dma_wait3A_250 = tpu.memref_slice %arg2[%dma_wait3A_248, %dma_wait3A_249] : memref<10000x128xf32, #tpu.memory_space<hbm>> -> memref<10000x128xf32, #tpu.memory_space<hbm>>
      tpu.wait_indirect_dma semaphore(%arg12 : memref<!tpu.dma_semaphore, #tpu.memory_space<semaphore_mem>>) src(%dma_wait3A_250 : memref<10000x128xf32, #tpu.memory_space<hbm>>) dst(%dma_wait3A_244 : memref<64x128xf32, #tpu.memory_space<vmem>>)
      %dma_wait3A_251 = arith.constant 64 : i32
      %dma_wait3A_252 = arith.constant 0 : i32
      %dma_wait3A_253 = tpu.memref_slice %arg9[%dma_wait3A_251, %dma_wait3A_252] : memref<128x128xf32, #tpu.memory_space<vmem>> -> memref<64x128xf32, #tpu.memory_space<vmem>>
      %dma_wait3A_254 = arith.constant 64 : i32
      %dma_wait3A_255 = tpu.memref_slice %arg7[%mul3A_221, %dma_wait3A_254] : memref<48x128xi32, #tpu.memory_space<vmem>> -> memref<1x64xi32, #tpu.memory_space<vmem>>
      %dma_wait3A_256 = tpu.memref_squeeze %dma_wait3A_255 : memref<1x64xi32, #tpu.memory_space<vmem>> -> memref<64xi32, #tpu.memory_space<vmem>>
      %dma_wait3A_257 = arith.constant 0 : i32
      %dma_wait3A_258 = arith.constant 0 : i32
      %dma_wait3A_259 = tpu.memref_slice %arg2[%dma_wait3A_257, %dma_wait3A_258] : memref<10000x128xf32, #tpu.memory_space<hbm>> -> memref<10000x128xf32, #tpu.memory_space<hbm>>
      tpu.wait_indirect_dma semaphore(%arg13 : memref<!tpu.dma_semaphore, #tpu.memory_space<semaphore_mem>>) src(%dma_wait3A_259 : memref<10000x128xf32, #tpu.memory_space<hbm>>) dst(%dma_wait3A_253 : memref<64x128xf32, #tpu.memory_space<vmem>>)
      "tpu.region"() ({
        %run_scoped3A = tpu.sem_alloc : memref<!tpu.dma_semaphore, #tpu.memory_space<semaphore_mem>>
        %dma_start3A_303 = arith.constant 0 : i32
        %dma_start3A_304 = tpu.memref_slice %arg8[%mul3A_221, %dma_start3A_303] : memref<40x128xi32, #tpu.memory_space<vmem>> -> memref<1x128xi32, #tpu.memory_space<vmem>>
        %dma_start3A_305 = tpu.memref_squeeze %dma_start3A_304 : memref<1x128xi32, #tpu.memory_space<vmem>> -> memref<128xi32, #tpu.memory_space<vmem>>
        %dma_start3A_306 = arith.constant 0 : i32
        %dma_start3A_307 = arith.constant 0 : i32
        %dma_start3A_308 = tpu.memref_slice %arg11[%dma_start3A_306, %dma_start3A_307] : memref<10240x128xf32, #tpu.memory_space<vmem_shared>> -> memref<10240x128xf32, #tpu.memory_space<vmem_shared>>
        tpu.enqueue_indirect_dma source(%arg9 : memref<128x128xf32, #tpu.memory_space<vmem>>) target(%dma_start3A_308 : memref<10240x128xf32, #tpu.memory_space<vmem_shared>>) offsets(%dma_start3A_305 : memref<128xi32, #tpu.memory_space<vmem>>) semaphore(%run_scoped3A : memref<!tpu.dma_semaphore, #tpu.memory_space<semaphore_mem>>) {add = true}
        %dma_wait3A_309 = arith.constant 0 : i32
        %dma_wait3A_310 = tpu.memref_slice %arg8[%mul3A_221, %dma_wait3A_309] : memref<40x128xi32, #tpu.memory_space<vmem>> -> memref<1x128xi32, #tpu.memory_space<vmem>>
        %dma_wait3A_311 = tpu.memref_squeeze %dma_wait3A_310 : memref<1x128xi32, #tpu.memory_space<vmem>> -> memref<128xi32, #tpu.memory_space<vmem>>
        %dma_wait3A_312 = arith.constant 0 : i32
        %dma_wait3A_313 = arith.constant 0 : i32
        %dma_wait3A_314 = tpu.memref_slice %arg11[%dma_wait3A_312, %dma_wait3A_313] : memref<10240x128xf32, #tpu.memory_space<vmem_shared>> -> memref<10240x128xf32, #tpu.memory_space<vmem_shared>>
        tpu.wait_indirect_dma semaphore(%run_scoped3A : memref<!tpu.dma_semaphore, #tpu.memory_space<semaphore_mem>>) src(%arg9 : memref<128x128xf32, #tpu.memory_space<vmem>>) dst(%dma_wait3A_314 : memref<10240x128xf32, #tpu.memory_space<vmem_shared>>)
        tpu.yield
      }) : () -> ()
      %add3A_260 = arith.constant 2 : i32
      %add3A_261 = arith.addi %mul3A_221, %add3A_260 : i32
      %dma_start3A_262 = arith.constant 0 : i32
      %dma_start3A_263 = arith.constant 0 : i32
      %dma_start3A_264 = tpu.memref_slice %arg9[%dma_start3A_262, %dma_start3A_263] : memref<128x128xf32, #tpu.memory_space<vmem>> -> memref<64x128xf32, #tpu.memory_space<vmem>>
      %dma_start3A_265 = arith.constant 0 : i32
      %dma_start3A_266 = tpu.memref_slice %arg7[%add3A_261, %dma_start3A_265] : memref<48x128xi32, #tpu.memory_space<vmem>> -> memref<1x64xi32, #tpu.memory_space<vmem>>
      %dma_start3A_267 = tpu.memref_squeeze %dma_start3A_266 : memref<1x64xi32, #tpu.memory_space<vmem>> -> memref<64xi32, #tpu.memory_space<vmem>>
      %dma_start3A_268 = arith.constant 0 : i32
      %dma_start3A_269 = arith.constant 0 : i32
      %dma_start3A_270 = tpu.memref_slice %arg2[%dma_start3A_268, %dma_start3A_269] : memref<10000x128xf32, #tpu.memory_space<hbm>> -> memref<10000x128xf32, #tpu.memory_space<hbm>>
      tpu.enqueue_indirect_dma source(%dma_start3A_270 : memref<10000x128xf32, #tpu.memory_space<hbm>>) target(%dma_start3A_264 : memref<64x128xf32, #tpu.memory_space<vmem>>) offsets(%dma_start3A_267 : memref<64xi32, #tpu.memory_space<vmem>>) semaphore(%arg12 : memref<!tpu.dma_semaphore, #tpu.memory_space<semaphore_mem>>)
      %dma_start3A_271 = arith.constant 64 : i32
      %dma_start3A_272 = arith.constant 0 : i32
      %dma_start3A_273 = tpu.memref_slice %arg9[%dma_start3A_271, %dma_start3A_272] : memref<128x128xf32, #tpu.memory_space<vmem>> -> memref<64x128xf32, #tpu.memory_space<vmem>>
      %dma_start3A_274 = arith.constant 64 : i32
      %dma_start3A_275 = tpu.memref_slice %arg7[%add3A_261, %dma_start3A_274] : memref<48x128xi32, #tpu.memory_space<vmem>> -> memref<1x64xi32, #tpu.memory_space<vmem>>
      %dma_start3A_276 = tpu.memref_squeeze %dma_start3A_275 : memref<1x64xi32, #tpu.memory_space<vmem>> -> memref<64xi32, #tpu.memory_space<vmem>>
      %dma_start3A_277 = arith.constant 0 : i32
      %dma_start3A_278 = arith.constant 0 : i32
      %dma_start3A_279 = tpu.memref_slice %arg2[%dma_start3A_277, %dma_start3A_278] : memref<10000x128xf32, #tpu.memory_space<hbm>> -> memref<10000x128xf32, #tpu.memory_space<hbm>>
      tpu.enqueue_indirect_dma source(%dma_start3A_279 : memref<10000x128xf32, #tpu.memory_space<hbm>>) target(%dma_start3A_273 : memref<64x128xf32, #tpu.memory_space<vmem>>) offsets(%dma_start3A_276 : memref<64xi32, #tpu.memory_space<vmem>>) semaphore(%arg13 : memref<!tpu.dma_semaphore, #tpu.memory_space<semaphore_mem>>)
      %add3A_280 = arith.constant 1 : i32
      %add3A_281 = arith.addi %mul3A_221, %add3A_280 : i32
      %dma_wait3A_282 = arith.constant 0 : i32
      %dma_wait3A_283 = arith.constant 0 : i32
      %dma_wait3A_284 = tpu.memref_slice %arg10[%dma_wait3A_282, %dma_wait3A_283] : memref<128x128xf32, #tpu.memory_space<vmem>> -> memref<64x128xf32, #tpu.memory_space<vmem>>
      %dma_wait3A_285 = arith.constant 0 : i32
      %dma_wait3A_286 = tpu.memref_slice %arg7[%add3A_281, %dma_wait3A_285] : memref<48x128xi32, #tpu.memory_space<vmem>> -> memref<1x64xi32, #tpu.memory_space<vmem>>
      %dma_wait3A_287 = tpu.memref_squeeze %dma_wait3A_286 : memref<1x64xi32, #tpu.memory_space<vmem>> -> memref<64xi32, #tpu.memory_space<vmem>>
      %dma_wait3A_288 = arith.constant 0 : i32
      %dma_wait3A_289 = arith.constant 0 : i32
      %dma_wait3A_290 = tpu.memref_slice %arg2[%dma_wait3A_288, %dma_wait3A_289] : memref<10000x128xf32, #tpu.memory_space<hbm>> -> memref<10000x128xf32, #tpu.memory_space<hbm>>
      tpu.wait_indirect_dma semaphore(%arg14 : memref<!tpu.dma_semaphore, #tpu.memory_space<semaphore_mem>>) src(%dma_wait3A_290 : memref<10000x128xf32, #tpu.memory_space<hbm>>) dst(%dma_wait3A_284 : memref<64x128xf32, #tpu.memory_space<vmem>>)
      %dma_wait3A_291 = arith.constant 64 : i32
      %dma_wait3A_292 = arith.constant 0 : i32
      %dma_wait3A_293 = tpu.memref_slice %arg10[%dma_wait3A_291, %dma_wait3A_292] : memref<128x128xf32, #tpu.memory_space<vmem>> -> memref<64x128xf32, #tpu.memory_space<vmem>>
      %dma_wait3A_294 = arith.constant 64 : i32
      %dma_wait3A_295 = tpu.memref_slice %arg7[%add3A_281, %dma_wait3A_294] : memref<48x128xi32, #tpu.memory_space<vmem>> -> memref<1x64xi32, #tpu.memory_space<vmem>>
      %dma_wait3A_296 = tpu.memref_squeeze %dma_wait3A_295 : memref<1x64xi32, #tpu.memory_space<vmem>> -> memref<64xi32, #tpu.memory_space<vmem>>
      %dma_wait3A_297 = arith.constant 0 : i32
      %dma_wait3A_298 = arith.constant 0 : i32
      %dma_wait3A_299 = tpu.memref_slice %arg2[%dma_wait3A_297, %dma_wait3A_298] : memref<10000x128xf32, #tpu.memory_space<hbm>> -> memref<10000x128xf32, #tpu.memory_space<hbm>>
      tpu.wait_indirect_dma semaphore(%arg15 : memref<!tpu.dma_semaphore, #tpu.memory_space<semaphore_mem>>) src(%dma_wait3A_299 : memref<10000x128xf32, #tpu.memory_space<hbm>>) dst(%dma_wait3A_293 : memref<64x128xf32, #tpu.memory_space<vmem>>)
      %add3A_300 = arith.constant 1 : i32
      %add3A_301 = arith.addi %mul3A_221, %add3A_300 : i32
      "tpu.region"() ({
        %run_scoped3A = tpu.sem_alloc : memref<!tpu.dma_semaphore, #tpu.memory_space<semaphore_mem>>
        %dma_start3A_303 = arith.constant 0 : i32
        %dma_start3A_304 = tpu.memref_slice %arg8[%add3A_301, %dma_start3A_303] : memref<40x128xi32, #tpu.memory_space<vmem>> -> memref<1x128xi32, #tpu.memory_space<vmem>>
        %dma_start3A_305 = tpu.memref_squeeze %dma_start3A_304 : memref<1x128xi32, #tpu.memory_space<vmem>> -> memref<128xi32, #tpu.memory_space<vmem>>
        %dma_start3A_306 = arith.constant 0 : i32
        %dma_start3A_307 = arith.constant 0 : i32
        %dma_start3A_308 = tpu.memref_slice %arg11[%dma_start3A_306, %dma_start3A_307] : memref<10240x128xf32, #tpu.memory_space<vmem_shared>> -> memref<10240x128xf32, #tpu.memory_space<vmem_shared>>
        tpu.enqueue_indirect_dma source(%arg10 : memref<128x128xf32, #tpu.memory_space<vmem>>) target(%dma_start3A_308 : memref<10240x128xf32, #tpu.memory_space<vmem_shared>>) offsets(%dma_start3A_305 : memref<128xi32, #tpu.memory_space<vmem>>) semaphore(%run_scoped3A : memref<!tpu.dma_semaphore, #tpu.memory_space<semaphore_mem>>) {add = true}
        %dma_wait3A_309 = arith.constant 0 : i32
        %dma_wait3A_310 = tpu.memref_slice %arg8[%add3A_301, %dma_wait3A_309] : memref<40x128xi32, #tpu.memory_space<vmem>> -> memref<1x128xi32, #tpu.memory_space<vmem>>
        %dma_wait3A_311 = tpu.memref_squeeze %dma_wait3A_310 : memref<1x128xi32, #tpu.memory_space<vmem>> -> memref<128xi32, #tpu.memory_space<vmem>>
        %dma_wait3A_312 = arith.constant 0 : i32
        %dma_wait3A_313 = arith.constant 0 : i32
        %dma_wait3A_314 = tpu.memref_slice %arg11[%dma_wait3A_312, %dma_wait3A_313] : memref<10240x128xf32, #tpu.memory_space<vmem_shared>> -> memref<10240x128xf32, #tpu.memory_space<vmem_shared>>
        tpu.wait_indirect_dma semaphore(%run_scoped3A : memref<!tpu.dma_semaphore, #tpu.memory_space<semaphore_mem>>) src(%arg10 : memref<128x128xf32, #tpu.memory_space<vmem>>) dst(%dma_wait3A_314 : memref<10240x128xf32, #tpu.memory_space<vmem_shared>>)
        tpu.yield
      }) : () -> ()
      %scan3A_302 = arith.constant 0 : i32
      scf.yield %scan3A_302 : i32
    }
    %scan3A_100 = arith.constant 20 : i32
    %dma_wait3A_101 = arith.constant 0 : i32
    %dma_wait3A_102 = arith.constant 0 : i32
    %dma_wait3A_103 = arith.constant 0 : i32
    %dma_wait3A_104 = tpu.memref_slice %arg9[%dma_wait3A_102, %dma_wait3A_103] : memref<128x128xf32, #tpu.memory_space<vmem>> -> memref<64x128xf32, #tpu.memory_space<vmem>>
    %dma_wait3A_105 = arith.constant 0 : i32
    %dma_wait3A_106 = tpu.memref_slice %arg7[%dma_wait3A_101, %dma_wait3A_105] : memref<48x128xi32, #tpu.memory_space<vmem>> -> memref<1x64xi32, #tpu.memory_space<vmem>>
    %dma_wait3A_107 = tpu.memref_squeeze %dma_wait3A_106 : memref<1x64xi32, #tpu.memory_space<vmem>> -> memref<64xi32, #tpu.memory_space<vmem>>
    %dma_wait3A_108 = arith.constant 0 : i32
    %dma_wait3A_109 = arith.constant 0 : i32
    %dma_wait3A_110 = tpu.memref_slice %arg2[%dma_wait3A_108, %dma_wait3A_109] : memref<10000x128xf32, #tpu.memory_space<hbm>> -> memref<10000x128xf32, #tpu.memory_space<hbm>>
    tpu.wait_indirect_dma semaphore(%arg12 : memref<!tpu.dma_semaphore, #tpu.memory_space<semaphore_mem>>) src(%dma_wait3A_110 : memref<10000x128xf32, #tpu.memory_space<hbm>>) dst(%dma_wait3A_104 : memref<64x128xf32, #tpu.memory_space<vmem>>)
    %dma_wait3A_111 = arith.constant 0 : i32
    %dma_wait3A_112 = arith.constant 64 : i32
    %dma_wait3A_113 = arith.constant 0 : i32
    %dma_wait3A_114 = tpu.memref_slice %arg9[%dma_wait3A_112, %dma_wait3A_113] : memref<128x128xf32, #tpu.memory_space<vmem>> -> memref<64x128xf32, #tpu.memory_space<vmem>>
    %dma_wait3A_115 = arith.constant 64 : i32
    %dma_wait3A_116 = tpu.memref_slice %arg7[%dma_wait3A_111, %dma_wait3A_115] : memref<48x128xi32, #tpu.memory_space<vmem>> -> memref<1x64xi32, #tpu.memory_space<vmem>>
    %dma_wait3A_117 = tpu.memref_squeeze %dma_wait3A_116 : memref<1x64xi32, #tpu.memory_space<vmem>> -> memref<64xi32, #tpu.memory_space<vmem>>
    %dma_wait3A_118 = arith.constant 0 : i32
    %dma_wait3A_119 = arith.constant 0 : i32
    %dma_wait3A_120 = tpu.memref_slice %arg2[%dma_wait3A_118, %dma_wait3A_119] : memref<10000x128xf32, #tpu.memory_space<hbm>> -> memref<10000x128xf32, #tpu.memory_space<hbm>>
    tpu.wait_indirect_dma semaphore(%arg13 : memref<!tpu.dma_semaphore, #tpu.memory_space<semaphore_mem>>) src(%dma_wait3A_120 : memref<10000x128xf32, #tpu.memory_space<hbm>>) dst(%dma_wait3A_114 : memref<64x128xf32, #tpu.memory_space<vmem>>)
    %barrier3A_121 = arith.constant 0 : index
    tpu.barrier barrier_id(%barrier3A_121)
    "tpu.region"() ({
      %run_scoped3A = tpu.sem_alloc : memref<!tpu.dma_semaphore, #tpu.memory_space<semaphore_mem>>
      %dma_start3A_218 = arith.constant 0 : i32
      %dma_start3A_219 = tpu.memref_slice %arg5[%arg0, %mul3A_2, %dma_start3A_218] : memref<2x10240x128xf32, #tpu.memory_space<hbm>> -> memref<1x640x128xf32, #tpu.memory_space<hbm>>
      %dma_start3A_220 = tpu.memref_squeeze %dma_start3A_219 : memref<1x640x128xf32, #tpu.memory_space<hbm>> -> memref<640x128xf32, #tpu.memory_space<hbm>>
      %dma_start3A_221 = arith.constant 0 : i32
      %dma_start3A_222 = tpu.memref_slice %arg11[%mul3A_2, %dma_start3A_221] : memref<10240x128xf32, #tpu.memory_space<vmem_shared>> -> memref<640x128xf32, #tpu.memory_space<vmem_shared>>
      tpu.enqueue_dma source(%dma_start3A_222 : memref<640x128xf32, #tpu.memory_space<vmem_shared>>) target(%dma_start3A_220 : memref<640x128xf32, #tpu.memory_space<hbm>>) target_semaphore(%run_scoped3A : memref<!tpu.dma_semaphore, #tpu.memory_space<semaphore_mem>>)
      %dma_wait3A_223 = arith.constant 0 : i32
      %dma_wait3A_224 = tpu.memref_slice %arg5[%arg0, %mul3A_2, %dma_wait3A_223] : memref<2x10240x128xf32, #tpu.memory_space<hbm>> -> memref<1x640x128xf32, #tpu.memory_space<hbm>>
      %dma_wait3A_225 = tpu.memref_squeeze %dma_wait3A_224 : memref<1x640x128xf32, #tpu.memory_space<hbm>> -> memref<640x128xf32, #tpu.memory_space<hbm>>
      %dma_wait3A_226 = arith.constant 0 : i32
      %dma_wait3A_227 = tpu.memref_slice %arg11[%mul3A_2, %dma_wait3A_226] : memref<10240x128xf32, #tpu.memory_space<vmem_shared>> -> memref<640x128xf32, #tpu.memory_space<vmem_shared>>
      tpu.wait_dma2 semaphore(%run_scoped3A : memref<!tpu.dma_semaphore, #tpu.memory_space<semaphore_mem>>) src(%dma_wait3A_227 : memref<640x128xf32, #tpu.memory_space<vmem_shared>>) dst(%dma_wait3A_225 : memref<640x128xf32, #tpu.memory_space<hbm>>)
      tpu.yield
    }) : () -> ()
    %scan3A_122 = arith.constant 0 : i32
    %scan3A_123 = arith.constant 0 : i32
    %scan3A_124 = arith.constant 128 : i32
    %scan3A_125 = arith.addi %scan3A_123, %scan3A_124 : i32
    %scan3A_126 = arith.constant 1 : i32
    %scan3A_127 = scf.for %scan3A_218 = %scan3A_123 to %scan3A_125 step %scan3A_126 iter_args(%scan3A_219 = %scan3A_122) -> (i32)  : i32 {
      %broadcast_in_dim3A = arith.constant 0.000000e+00 : f32
      %broadcast_in_dim3A_220 = vector.broadcast %broadcast_in_dim3A : f32 to vector<16xf32>
      %swap3A = arith.index_cast %scan3A_218 : i32 to index
      %swap3A_221 = arith.constant 0 : index
      %swap3A_222 = tpu.vector_load %arg10[%swap3A, %swap3A_221] {strides = array<i32>} : memref<128x128xf32, #tpu.memory_space<vmem>>, vector<1x16xf32>,
      %swap3A_223 = vector.shape_cast %swap3A_222 : vector<1x16xf32> to vector<16xf32>
      %swap3A_224 = vector.shape_cast %broadcast_in_dim3A_220 : vector<16xf32> to vector<1x16xf32>
      tpu.vector_store %arg10[%swap3A, %swap3A_221], %swap3A_224 {strides = array<i32>} : memref<128x128xf32, #tpu.memory_space<vmem>>, vector<1x16xf32>,
      %broadcast_in_dim3A_225 = arith.constant 0.000000e+00 : f32
      %broadcast_in_dim3A_226 = vector.broadcast %broadcast_in_dim3A_225 : f32 to vector<16xf32>
      %swap3A_227 = arith.index_cast %scan3A_218 : i32 to index
      %swap3A_228 = arith.constant 16 : index
      %swap3A_229 = tpu.vector_load %arg10[%swap3A_227, %swap3A_228] {strides = array<i32>} : memref<128x128xf32, #tpu.memory_space<vmem>>, vector<1x16xf32>,
      %swap3A_230 = vector.shape_cast %swap3A_229 : vector<1x16xf32> to vector<16xf32>
      %swap3A_231 = vector.shape_cast %broadcast_in_dim3A_226 : vector<16xf32> to vector<1x16xf32>
      tpu.vector_store %arg10[%swap3A_227, %swap3A_228], %swap3A_231 {strides = array<i32>} : memref<128x128xf32, #tpu.memory_space<vmem>>, vector<1x16xf32>,
      %broadcast_in_dim3A_232 = arith.constant 0.000000e+00 : f32
      %broadcast_in_dim3A_233 = vector.broadcast %broadcast_in_dim3A_232 : f32 to vector<16xf32>
      %swap3A_234 = arith.index_cast %scan3A_218 : i32 to index
      %swap3A_235 = arith.constant 32 : index
      %swap3A_236 = tpu.vector_load %arg10[%swap3A_234, %swap3A_235] {strides = array<i32>} : memref<128x128xf32, #tpu.memory_space<vmem>>, vector<1x16xf32>,
      %swap3A_237 = vector.shape_cast %swap3A_236 : vector<1x16xf32> to vector<16xf32>
      %swap3A_238 = vector.shape_cast %broadcast_in_dim3A_233 : vector<16xf32> to vector<1x16xf32>
      tpu.vector_store %arg10[%swap3A_234, %swap3A_235], %swap3A_238 {strides = array<i32>} : memref<128x128xf32, #tpu.memory_space<vmem>>, vector<1x16xf32>,
      %broadcast_in_dim3A_239 = arith.constant 0.000000e+00 : f32
      %broadcast_in_dim3A_240 = vector.broadcast %broadcast_in_dim3A_239 : f32 to vector<16xf32>
      %swap3A_241 = arith.index_cast %scan3A_218 : i32 to index
      %swap3A_242 = arith.constant 48 : index
      %swap3A_243 = tpu.vector_load %arg10[%swap3A_241, %swap3A_242] {strides = array<i32>} : memref<128x128xf32, #tpu.memory_space<vmem>>, vector<1x16xf32>,
      %swap3A_244 = vector.shape_cast %swap3A_243 : vector<1x16xf32> to vector<16xf32>
      %swap3A_245 = vector.shape_cast %broadcast_in_dim3A_240 : vector<16xf32> to vector<1x16xf32>
      tpu.vector_store %arg10[%swap3A_241, %swap3A_242], %swap3A_245 {strides = array<i32>} : memref<128x128xf32, #tpu.memory_space<vmem>>, vector<1x16xf32>,
      %broadcast_in_dim3A_246 = arith.constant 0.000000e+00 : f32
      %broadcast_in_dim3A_247 = vector.broadcast %broadcast_in_dim3A_246 : f32 to vector<16xf32>
      %swap3A_248 = arith.index_cast %scan3A_218 : i32 to index
      %swap3A_249 = arith.constant 64 : index
      %swap3A_250 = tpu.vector_load %arg10[%swap3A_248, %swap3A_249] {strides = array<i32>} : memref<128x128xf32, #tpu.memory_space<vmem>>, vector<1x16xf32>,
      %swap3A_251 = vector.shape_cast %swap3A_250 : vector<1x16xf32> to vector<16xf32>
      %swap3A_252 = vector.shape_cast %broadcast_in_dim3A_247 : vector<16xf32> to vector<1x16xf32>
      tpu.vector_store %arg10[%swap3A_248, %swap3A_249], %swap3A_252 {strides = array<i32>} : memref<128x128xf32, #tpu.memory_space<vmem>>, vector<1x16xf32>,
      %broadcast_in_dim3A_253 = arith.constant 0.000000e+00 : f32
      %broadcast_in_dim3A_254 = vector.broadcast %broadcast_in_dim3A_253 : f32 to vector<16xf32>
      %swap3A_255 = arith.index_cast %scan3A_218 : i32 to index
      %swap3A_256 = arith.constant 80 : index
      %swap3A_257 = tpu.vector_load %arg10[%swap3A_255, %swap3A_256] {strides = array<i32>} : memref<128x128xf32, #tpu.memory_space<vmem>>, vector<1x16xf32>,
      %swap3A_258 = vector.shape_cast %swap3A_257 : vector<1x16xf32> to vector<16xf32>
      %swap3A_259 = vector.shape_cast %broadcast_in_dim3A_254 : vector<16xf32> to vector<1x16xf32>
      tpu.vector_store %arg10[%swap3A_255, %swap3A_256], %swap3A_259 {strides = array<i32>} : memref<128x128xf32, #tpu.memory_space<vmem>>, vector<1x16xf32>,
      %broadcast_in_dim3A_260 = arith.constant 0.000000e+00 : f32
      %broadcast_in_dim3A_261 = vector.broadcast %broadcast_in_dim3A_260 : f32 to vector<16xf32>
      %swap3A_262 = arith.index_cast %scan3A_218 : i32 to index
      %swap3A_263 = arith.constant 96 : index
      %swap3A_264 = tpu.vector_load %arg10[%swap3A_262, %swap3A_263] {strides = array<i32>} : memref<128x128xf32, #tpu.memory_space<vmem>>, vector<1x16xf32>,
      %swap3A_265 = vector.shape_cast %swap3A_264 : vector<1x16xf32> to vector<16xf32>
      %swap3A_266 = vector.shape_cast %broadcast_in_dim3A_261 : vector<16xf32> to vector<1x16xf32>
      tpu.vector_store %arg10[%swap3A_262, %swap3A_263], %swap3A_266 {strides = array<i32>} : memref<128x128xf32, #tpu.memory_space<vmem>>, vector<1x16xf32>,
      %broadcast_in_dim3A_267 = arith.constant 0.000000e+00 : f32
      %broadcast_in_dim3A_268 = vector.broadcast %broadcast_in_dim3A_267 : f32 to vector<16xf32>
      %swap3A_269 = arith.index_cast %scan3A_218 : i32 to index
      %swap3A_270 = arith.constant 112 : index
      %swap3A_271 = tpu.vector_load %arg10[%swap3A_269, %swap3A_270] {strides = array<i32>} : memref<128x128xf32, #tpu.memory_space<vmem>>, vector<1x16xf32>,
      %swap3A_272 = vector.shape_cast %swap3A_271 : vector<1x16xf32> to vector<16xf32>
      %swap3A_273 = vector.shape_cast %broadcast_in_dim3A_268 : vector<16xf32> to vector<1x16xf32>
      tpu.vector_store %arg10[%swap3A_269, %swap3A_270], %swap3A_273 {strides = array<i32>} : memref<128x128xf32, #tpu.memory_space<vmem>>, vector<1x16xf32>,
      %scan3A_274 = arith.constant 0 : i32
      scf.yield %scan3A_274 : i32
    }
    %scan3A_128 = arith.constant 128 : i32
    %add3A_129 = arith.constant 0 : i32
    %add3A_130 = arith.addi %mul3A_2, %add3A_129 : i32
    "tpu.region"() ({
      %run_scoped3A = tpu.sem_alloc : memref<!tpu.dma_semaphore, #tpu.memory_space<semaphore_mem>>
      %dma_start3A_218 = arith.constant 0 : i32
      %dma_start3A_219 = tpu.memref_slice %arg11[%add3A_130, %dma_start3A_218] : memref<10240x128xf32, #tpu.memory_space<vmem_shared>> -> memref<128x128xf32, #tpu.memory_space<vmem_shared>>
      %dma_start3A_220 = arith.constant 0 : i32
      %dma_start3A_221 = tpu.memref_slice %arg11[%add3A_130, %dma_start3A_220] : memref<10240x128xf32, #tpu.memory_space<vmem_shared>> -> memref<128x128xf32, #tpu.memory_space<vmem_shared>>
      tpu.enqueue_dma source(%arg10 : memref<128x128xf32, #tpu.memory_space<vmem>>) target(%dma_start3A_221 : memref<128x128xf32, #tpu.memory_space<vmem_shared>>) target_semaphore(%run_scoped3A : memref<!tpu.dma_semaphore, #tpu.memory_space<semaphore_mem>>)
      %dma_wait3A_222 = arith.constant 0 : i32
      %dma_wait3A_223 = tpu.memref_slice %arg11[%add3A_130, %dma_wait3A_222] : memref<10240x128xf32, #tpu.memory_space<vmem_shared>> -> memref<128x128xf32, #tpu.memory_space<vmem_shared>>
      %dma_wait3A_224 = arith.constant 0 : i32
      %dma_wait3A_225 = tpu.memref_slice %arg11[%add3A_130, %dma_wait3A_224] : memref<10240x128xf32, #tpu.memory_space<vmem_shared>> -> memref<128x128xf32, #tpu.memory_space<vmem_shared>>
      tpu.wait_dma2 semaphore(%run_scoped3A : memref<!tpu.dma_semaphore, #tpu.memory_space<semaphore_mem>>) src(%arg10 : memref<128x128xf32, #tpu.memory_space<vmem>>) dst(%dma_wait3A_225 : memref<128x128xf32, #tpu.memory_space<vmem_shared>>)
      tpu.yield
    }) : () -> ()
    %add3A_131 = arith.constant 128 : i32
    %add3A_132 = arith.addi %mul3A_2, %add3A_131 : i32
    "tpu.region"() ({
      %run_scoped3A = tpu.sem_alloc : memref<!tpu.dma_semaphore, #tpu.memory_space<semaphore_mem>>
      %dma_start3A_218 = arith.constant 0 : i32
      %dma_start3A_219 = tpu.memref_slice %arg11[%add3A_132, %dma_start3A_218] : memref<10240x128xf32, #tpu.memory_space<vmem_shared>> -> memref<128x128xf32, #tpu.memory_space<vmem_shared>>
      %dma_start3A_220 = arith.constant 0 : i32
      %dma_start3A_221 = tpu.memref_slice %arg11[%add3A_132, %dma_start3A_220] : memref<10240x128xf32, #tpu.memory_space<vmem_shared>> -> memref<128x128xf32, #tpu.memory_space<vmem_shared>>
      tpu.enqueue_dma source(%arg10 : memref<128x128xf32, #tpu.memory_space<vmem>>) target(%dma_start3A_221 : memref<128x128xf32, #tpu.memory_space<vmem_shared>>) target_semaphore(%run_scoped3A : memref<!tpu.dma_semaphore, #tpu.memory_space<semaphore_mem>>)
      %dma_wait3A_222 = arith.constant 0 : i32
      %dma_wait3A_223 = tpu.memref_slice %arg11[%add3A_132, %dma_wait3A_222] : memref<10240x128xf32, #tpu.memory_space<vmem_shared>> -> memref<128x128xf32, #tpu.memory_space<vmem_shared>>
      %dma_wait3A_224 = arith.constant 0 : i32
      %dma_wait3A_225 = tpu.memref_slice %arg11[%add3A_132, %dma_wait3A_224] : memref<10240x128xf32, #tpu.memory_space<vmem_shared>> -> memref<128x128xf32, #tpu.memory_space<vmem_shared>>
      tpu.wait_dma2 semaphore(%run_scoped3A : memref<!tpu.dma_semaphore, #tpu.memory_space<semaphore_mem>>) src(%arg10 : memref<128x128xf32, #tpu.memory_space<vmem>>) dst(%dma_wait3A_225 : memref<128x128xf32, #tpu.memory_space<vmem_shared>>)
      tpu.yield
    }) : () -> ()
    %add3A_133 = arith.constant 256 : i32
    %add3A_134 = arith.addi %mul3A_2, %add3A_133 : i32
    "tpu.region"() ({
      %run_scoped3A = tpu.sem_alloc : memref<!tpu.dma_semaphore, #tpu.memory_space<semaphore_mem>>
      %dma_start3A_218 = arith.constant 0 : i32
      %dma_start3A_219 = tpu.memref_slice %arg11[%add3A_134, %dma_start3A_218] : memref<10240x128xf32, #tpu.memory_space<vmem_shared>> -> memref<128x128xf32, #tpu.memory_space<vmem_shared>>
      %dma_start3A_220 = arith.constant 0 : i32
      %dma_start3A_221 = tpu.memref_slice %arg11[%add3A_134, %dma_start3A_220] : memref<10240x128xf32, #tpu.memory_space<vmem_shared>> -> memref<128x128xf32, #tpu.memory_space<vmem_shared>>
      tpu.enqueue_dma source(%arg10 : memref<128x128xf32, #tpu.memory_space<vmem>>) target(%dma_start3A_221 : memref<128x128xf32, #tpu.memory_space<vmem_shared>>) target_semaphore(%run_scoped3A : memref<!tpu.dma_semaphore, #tpu.memory_space<semaphore_mem>>)
      %dma_wait3A_222 = arith.constant 0 : i32
      %dma_wait3A_223 = tpu.memref_slice %arg11[%add3A_134, %dma_wait3A_222] : memref<10240x128xf32, #tpu.memory_space<vmem_shared>> -> memref<128x128xf32, #tpu.memory_space<vmem_shared>>
      %dma_wait3A_224 = arith.constant 0 : i32
      %dma_wait3A_225 = tpu.memref_slice %arg11[%add3A_134, %dma_wait3A_224] : memref<10240x128xf32, #tpu.memory_space<vmem_shared>> -> memref<128x128xf32, #tpu.memory_space<vmem_shared>>
      tpu.wait_dma2 semaphore(%run_scoped3A : memref<!tpu.dma_semaphore, #tpu.memory_space<semaphore_mem>>) src(%arg10 : memref<128x128xf32, #tpu.memory_space<vmem>>) dst(%dma_wait3A_225 : memref<128x128xf32, #tpu.memory_space<vmem_shared>>)
      tpu.yield
    }) : () -> ()
    %add3A_135 = arith.constant 384 : i32
    %add3A_136 = arith.addi %mul3A_2, %add3A_135 : i32
    "tpu.region"() ({
      %run_scoped3A = tpu.sem_alloc : memref<!tpu.dma_semaphore, #tpu.memory_space<semaphore_mem>>
      %dma_start3A_218 = arith.constant 0 : i32
      %dma_start3A_219 = tpu.memref_slice %arg11[%add3A_136, %dma_start3A_218] : memref<10240x128xf32, #tpu.memory_space<vmem_shared>> -> memref<128x128xf32, #tpu.memory_space<vmem_shared>>
      %dma_start3A_220 = arith.constant 0 : i32
      %dma_start3A_221 = tpu.memref_slice %arg11[%add3A_136, %dma_start3A_220] : memref<10240x128xf32, #tpu.memory_space<vmem_shared>> -> memref<128x128xf32, #tpu.memory_space<vmem_shared>>
      tpu.enqueue_dma source(%arg10 : memref<128x128xf32, #tpu.memory_space<vmem>>) target(%dma_start3A_221 : memref<128x128xf32, #tpu.memory_space<vmem_shared>>) target_semaphore(%run_scoped3A : memref<!tpu.dma_semaphore, #tpu.memory_space<semaphore_mem>>)
      %dma_wait3A_222 = arith.constant 0 : i32
      %dma_wait3A_223 = tpu.memref_slice %arg11[%add3A_136, %dma_wait3A_222] : memref<10240x128xf32, #tpu.memory_space<vmem_shared>> -> memref<128x128xf32, #tpu.memory_space<vmem_shared>>
      %dma_wait3A_224 = arith.constant 0 : i32
      %dma_wait3A_225 = tpu.memref_slice %arg11[%add3A_136, %dma_wait3A_224] : memref<10240x128xf32, #tpu.memory_space<vmem_shared>> -> memref<128x128xf32, #tpu.memory_space<vmem_shared>>
      tpu.wait_dma2 semaphore(%run_scoped3A : memref<!tpu.dma_semaphore, #tpu.memory_space<semaphore_mem>>) src(%arg10 : memref<128x128xf32, #tpu.memory_space<vmem>>) dst(%dma_wait3A_225 : memref<128x128xf32, #tpu.memory_space<vmem_shared>>)
      tpu.yield
    }) : () -> ()
    %add3A_137 = arith.constant 512 : i32
    %add3A_138 = arith.addi %mul3A_2, %add3A_137 : i32
    "tpu.region"() ({
      %run_scoped3A = tpu.sem_alloc : memref<!tpu.dma_semaphore, #tpu.memory_space<semaphore_mem>>
      %dma_start3A_218 = arith.constant 0 : i32
      %dma_start3A_219 = tpu.memref_slice %arg11[%add3A_138, %dma_start3A_218] : memref<10240x128xf32, #tpu.memory_space<vmem_shared>> -> memref<128x128xf32, #tpu.memory_space<vmem_shared>>
      %dma_start3A_220 = arith.constant 0 : i32
      %dma_start3A_221 = tpu.memref_slice %arg11[%add3A_138, %dma_start3A_220] : memref<10240x128xf32, #tpu.memory_space<vmem_shared>> -> memref<128x128xf32, #tpu.memory_space<vmem_shared>>
      tpu.enqueue_dma source(%arg10 : memref<128x128xf32, #tpu.memory_space<vmem>>) target(%dma_start3A_221 : memref<128x128xf32, #tpu.memory_space<vmem_shared>>) target_semaphore(%run_scoped3A : memref<!tpu.dma_semaphore, #tpu.memory_space<semaphore_mem>>)
      %dma_wait3A_222 = arith.constant 0 : i32
      %dma_wait3A_223 = tpu.memref_slice %arg11[%add3A_138, %dma_wait3A_222] : memref<10240x128xf32, #tpu.memory_space<vmem_shared>> -> memref<128x128xf32, #tpu.memory_space<vmem_shared>>
      %dma_wait3A_224 = arith.constant 0 : i32
      %dma_wait3A_225 = tpu.memref_slice %arg11[%add3A_138, %dma_wait3A_224] : memref<10240x128xf32, #tpu.memory_space<vmem_shared>> -> memref<128x128xf32, #tpu.memory_space<vmem_shared>>
      tpu.wait_dma2 semaphore(%run_scoped3A : memref<!tpu.dma_semaphore, #tpu.memory_space<semaphore_mem>>) src(%arg10 : memref<128x128xf32, #tpu.memory_space<vmem>>) dst(%dma_wait3A_225 : memref<128x128xf32, #tpu.memory_space<vmem_shared>>)
      tpu.yield
    }) : () -> ()
    %scan3A_139 = arith.constant 0 : i32
    %scan3A_140 = arith.constant 0 : i32
    %scan3A_141 = arith.constant 128 : i32
    %scan3A_142 = arith.addi %scan3A_140, %scan3A_141 : i32
    %scan3A_143 = arith.constant 1 : i32
    %scan3A_144 = scf.for %scan3A_218 = %scan3A_140 to %scan3A_142 step %scan3A_143 iter_args(%scan3A_219 = %scan3A_139) -> (i32)  : i32 {
      %broadcast_in_dim3A = arith.constant 1.000000e+00 : f32
      %broadcast_in_dim3A_220 = vector.broadcast %broadcast_in_dim3A : f32 to vector<16xf32>
      %swap3A = arith.index_cast %scan3A_218 : i32 to index
      %swap3A_221 = arith.constant 0 : index
      %swap3A_222 = tpu.vector_load %arg9[%swap3A, %swap3A_221] {strides = array<i32>} : memref<128x128xf32, #tpu.memory_space<vmem>>, vector<1x16xf32>,
      %swap3A_223 = vector.shape_cast %swap3A_222 : vector<1x16xf32> to vector<16xf32>
      %swap3A_224 = vector.shape_cast %broadcast_in_dim3A_220 : vector<16xf32> to vector<1x16xf32>
      tpu.vector_store %arg9[%swap3A, %swap3A_221], %swap3A_224 {strides = array<i32>} : memref<128x128xf32, #tpu.memory_space<vmem>>, vector<1x16xf32>,
      %broadcast_in_dim3A_225 = arith.constant 1.000000e+00 : f32
      %broadcast_in_dim3A_226 = vector.broadcast %broadcast_in_dim3A_225 : f32 to vector<16xf32>
      %swap3A_227 = arith.index_cast %scan3A_218 : i32 to index
      %swap3A_228 = arith.constant 16 : index
      %swap3A_229 = tpu.vector_load %arg9[%swap3A_227, %swap3A_228] {strides = array<i32>} : memref<128x128xf32, #tpu.memory_space<vmem>>, vector<1x16xf32>,
      %swap3A_230 = vector.shape_cast %swap3A_229 : vector<1x16xf32> to vector<16xf32>
      %swap3A_231 = vector.shape_cast %broadcast_in_dim3A_226 : vector<16xf32> to vector<1x16xf32>
      tpu.vector_store %arg9[%swap3A_227, %swap3A_228], %swap3A_231 {strides = array<i32>} : memref<128x128xf32, #tpu.memory_space<vmem>>, vector<1x16xf32>,
      %broadcast_in_dim3A_232 = arith.constant 1.000000e+00 : f32
      %broadcast_in_dim3A_233 = vector.broadcast %broadcast_in_dim3A_232 : f32 to vector<16xf32>
      %swap3A_234 = arith.index_cast %scan3A_218 : i32 to index
      %swap3A_235 = arith.constant 32 : index
      %swap3A_236 = tpu.vector_load %arg9[%swap3A_234, %swap3A_235] {strides = array<i32>} : memref<128x128xf32, #tpu.memory_space<vmem>>, vector<1x16xf32>,
      %swap3A_237 = vector.shape_cast %swap3A_236 : vector<1x16xf32> to vector<16xf32>
      %swap3A_238 = vector.shape_cast %broadcast_in_dim3A_233 : vector<16xf32> to vector<1x16xf32>
      tpu.vector_store %arg9[%swap3A_234, %swap3A_235], %swap3A_238 {strides = array<i32>} : memref<128x128xf32, #tpu.memory_space<vmem>>, vector<1x16xf32>,
      %broadcast_in_dim3A_239 = arith.constant 1.000000e+00 : f32
      %broadcast_in_dim3A_240 = vector.broadcast %broadcast_in_dim3A_239 : f32 to vector<16xf32>
      %swap3A_241 = arith.index_cast %scan3A_218 : i32 to index
      %swap3A_242 = arith.constant 48 : index
      %swap3A_243 = tpu.vector_load %arg9[%swap3A_241, %swap3A_242] {strides = array<i32>} : memref<128x128xf32, #tpu.memory_space<vmem>>, vector<1x16xf32>,
      %swap3A_244 = vector.shape_cast %swap3A_243 : vector<1x16xf32> to vector<16xf32>
      %swap3A_245 = vector.shape_cast %broadcast_in_dim3A_240 : vector<16xf32> to vector<1x16xf32>
      tpu.vector_store %arg9[%swap3A_241, %swap3A_242], %swap3A_245 {strides = array<i32>} : memref<128x128xf32, #tpu.memory_space<vmem>>, vector<1x16xf32>,
      %broadcast_in_dim3A_246 = arith.constant 1.000000e+00 : f32
      %broadcast_in_dim3A_247 = vector.broadcast %broadcast_in_dim3A_246 : f32 to vector<16xf32>
      %swap3A_248 = arith.index_cast %scan3A_218 : i32 to index
      %swap3A_249 = arith.constant 64 : index
      %swap3A_250 = tpu.vector_load %arg9[%swap3A_248, %swap3A_249] {strides = array<i32>} : memref<128x128xf32, #tpu.memory_space<vmem>>, vector<1x16xf32>,
      %swap3A_251 = vector.shape_cast %swap3A_250 : vector<1x16xf32> to vector<16xf32>
      %swap3A_252 = vector.shape_cast %broadcast_in_dim3A_247 : vector<16xf32> to vector<1x16xf32>
      tpu.vector_store %arg9[%swap3A_248, %swap3A_249], %swap3A_252 {strides = array<i32>} : memref<128x128xf32, #tpu.memory_space<vmem>>, vector<1x16xf32>,
      %broadcast_in_dim3A_253 = arith.constant 1.000000e+00 : f32
      %broadcast_in_dim3A_254 = vector.broadcast %broadcast_in_dim3A_253 : f32 to vector<16xf32>
      %swap3A_255 = arith.index_cast %scan3A_218 : i32 to index
      %swap3A_256 = arith.constant 80 : index
      %swap3A_257 = tpu.vector_load %arg9[%swap3A_255, %swap3A_256] {strides = array<i32>} : memref<128x128xf32, #tpu.memory_space<vmem>>, vector<1x16xf32>,
      %swap3A_258 = vector.shape_cast %swap3A_257 : vector<1x16xf32> to vector<16xf32>
      %swap3A_259 = vector.shape_cast %broadcast_in_dim3A_254 : vector<16xf32> to vector<1x16xf32>
      tpu.vector_store %arg9[%swap3A_255, %swap3A_256], %swap3A_259 {strides = array<i32>} : memref<128x128xf32, #tpu.memory_space<vmem>>, vector<1x16xf32>,
      %broadcast_in_dim3A_260 = arith.constant 1.000000e+00 : f32
      %broadcast_in_dim3A_261 = vector.broadcast %broadcast_in_dim3A_260 : f32 to vector<16xf32>
      %swap3A_262 = arith.index_cast %scan3A_218 : i32 to index
      %swap3A_263 = arith.constant 96 : index
      %swap3A_264 = tpu.vector_load %arg9[%swap3A_262, %swap3A_263] {strides = array<i32>} : memref<128x128xf32, #tpu.memory_space<vmem>>, vector<1x16xf32>,
      %swap3A_265 = vector.shape_cast %swap3A_264 : vector<1x16xf32> to vector<16xf32>
      %swap3A_266 = vector.shape_cast %broadcast_in_dim3A_261 : vector<16xf32> to vector<1x16xf32>
      tpu.vector_store %arg9[%swap3A_262, %swap3A_263], %swap3A_266 {strides = array<i32>} : memref<128x128xf32, #tpu.memory_space<vmem>>, vector<1x16xf32>,
      %broadcast_in_dim3A_267 = arith.constant 1.000000e+00 : f32
      %broadcast_in_dim3A_268 = vector.broadcast %broadcast_in_dim3A_267 : f32 to vector<16xf32>
      %swap3A_269 = arith.index_cast %scan3A_218 : i32 to index
      %swap3A_270 = arith.constant 112 : index
      %swap3A_271 = tpu.vector_load %arg9[%swap3A_269, %swap3A_270] {strides = array<i32>} : memref<128x128xf32, #tpu.memory_space<vmem>>, vector<1x16xf32>,
      %swap3A_272 = vector.shape_cast %swap3A_271 : vector<1x16xf32> to vector<16xf32>
      %swap3A_273 = vector.shape_cast %broadcast_in_dim3A_268 : vector<16xf32> to vector<1x16xf32>
      tpu.vector_store %arg9[%swap3A_269, %swap3A_270], %swap3A_273 {strides = array<i32>} : memref<128x128xf32, #tpu.memory_space<vmem>>, vector<1x16xf32>,
      %scan3A_274 = arith.constant 0 : i32
      scf.yield %scan3A_274 : i32
    }
    %scan3A_145 = arith.constant 128 : i32
    %barrier3A_146 = arith.constant 0 : index
    tpu.barrier barrier_id(%barrier3A_146)
    %dma_start3A_147 = arith.constant 0 : i32
    %dma_start3A_148 = arith.constant 0 : i32
    %dma_start3A_149 = tpu.memref_slice %arg8[%dma_start3A_147, %dma_start3A_148] : memref<40x128xi32, #tpu.memory_space<vmem>> -> memref<1x128xi32, #tpu.memory_space<vmem>>
    %dma_start3A_150 = tpu.memref_squeeze %dma_start3A_149 : memref<1x128xi32, #tpu.memory_space<vmem>> -> memref<128xi32, #tpu.memory_space<vmem>>
    %dma_start3A_151 = arith.constant 0 : i32
    %dma_start3A_152 = arith.constant 0 : i32
    %dma_start3A_153 = tpu.memref_slice %arg11[%dma_start3A_151, %dma_start3A_152] : memref<10240x128xf32, #tpu.memory_space<vmem_shared>> -> memref<10240x128xf32, #tpu.memory_space<vmem_shared>>
    tpu.enqueue_indirect_dma source(%arg9 : memref<128x128xf32, #tpu.memory_space<vmem>>) target(%dma_start3A_153 : memref<10240x128xf32, #tpu.memory_space<vmem_shared>>) offsets(%dma_start3A_150 : memref<128xi32, #tpu.memory_space<vmem>>) semaphore(%arg12 : memref<!tpu.dma_semaphore, #tpu.memory_space<semaphore_mem>>) {add = true}
    %scan3A_154 = arith.constant 0 : i32
    %scan3A_155 = arith.constant 0 : i32
    %scan3A_156 = arith.constant 19 : i32
    %scan3A_157 = arith.addi %scan3A_155, %scan3A_156 : i32
    %scan3A_158 = arith.constant 1 : i32
    %scan3A_159 = scf.for %scan3A_218 = %scan3A_155 to %scan3A_157 step %scan3A_158 iter_args(%scan3A_219 = %scan3A_154) -> (i32)  : i32 {
      %mul3A_220 = arith.constant 2 : i32
      %mul3A_221 = arith.muli %mul3A_220, %scan3A_218 : i32
      %add3A_222 = arith.constant 1 : i32
      %add3A_223 = arith.addi %mul3A_221, %add3A_222 : i32
      %dma_start3A_224 = arith.constant 0 : i32
      %dma_start3A_225 = tpu.memref_slice %arg8[%add3A_223, %dma_start3A_224] : memref<40x128xi32, #tpu.memory_space<vmem>> -> memref<1x128xi32, #tpu.memory_space<vmem>>
      %dma_start3A_226 = tpu.memref_squeeze %dma_start3A_225 : memref<1x128xi32, #tpu.memory_space<vmem>> -> memref<128xi32, #tpu.memory_space<vmem>>
      %dma_start3A_227 = arith.constant 0 : i32
      %dma_start3A_228 = arith.constant 0 : i32
      %dma_start3A_229 = tpu.memref_slice %arg11[%dma_start3A_227, %dma_start3A_228] : memref<10240x128xf32, #tpu.memory_space<vmem_shared>> -> memref<10240x128xf32, #tpu.memory_space<vmem_shared>>
      tpu.enqueue_indirect_dma source(%arg9 : memref<128x128xf32, #tpu.memory_space<vmem>>) target(%dma_start3A_229 : memref<10240x128xf32, #tpu.memory_space<vmem_shared>>) offsets(%dma_start3A_226 : memref<128xi32, #tpu.memory_space<vmem>>) semaphore(%arg13 : memref<!tpu.dma_semaphore, #tpu.memory_space<semaphore_mem>>) {add = true}
      %dma_wait3A_230 = arith.constant 0 : i32
      %dma_wait3A_231 = tpu.memref_slice %arg8[%mul3A_221, %dma_wait3A_230] : memref<40x128xi32, #tpu.memory_space<vmem>> -> memref<1x128xi32, #tpu.memory_space<vmem>>
      %dma_wait3A_232 = tpu.memref_squeeze %dma_wait3A_231 : memref<1x128xi32, #tpu.memory_space<vmem>> -> memref<128xi32, #tpu.memory_space<vmem>>
      %dma_wait3A_233 = arith.constant 0 : i32
      %dma_wait3A_234 = arith.constant 0 : i32
      %dma_wait3A_235 = tpu.memref_slice %arg11[%dma_wait3A_233, %dma_wait3A_234] : memref<10240x128xf32, #tpu.memory_space<vmem_shared>> -> memref<10240x128xf32, #tpu.memory_space<vmem_shared>>
      tpu.wait_indirect_dma semaphore(%arg12 : memref<!tpu.dma_semaphore, #tpu.memory_space<semaphore_mem>>) src(%arg9 : memref<128x128xf32, #tpu.memory_space<vmem>>) dst(%dma_wait3A_235 : memref<10240x128xf32, #tpu.memory_space<vmem_shared>>)
      %add3A_236 = arith.constant 2 : i32
      %add3A_237 = arith.addi %mul3A_221, %add3A_236 : i32
      %dma_start3A_238 = arith.constant 0 : i32
      %dma_start3A_239 = tpu.memref_slice %arg8[%add3A_237, %dma_start3A_238] : memref<40x128xi32, #tpu.memory_space<vmem>> -> memref<1x128xi32, #tpu.memory_space<vmem>>
      %dma_start3A_240 = tpu.memref_squeeze %dma_start3A_239 : memref<1x128xi32, #tpu.memory_space<vmem>> -> memref<128xi32, #tpu.memory_space<vmem>>
      %dma_start3A_241 = arith.constant 0 : i32
      %dma_start3A_242 = arith.constant 0 : i32
      %dma_start3A_243 = tpu.memref_slice %arg11[%dma_start3A_241, %dma_start3A_242] : memref<10240x128xf32, #tpu.memory_space<vmem_shared>> -> memref<10240x128xf32, #tpu.memory_space<vmem_shared>>
      tpu.enqueue_indirect_dma source(%arg9 : memref<128x128xf32, #tpu.memory_space<vmem>>) target(%dma_start3A_243 : memref<10240x128xf32, #tpu.memory_space<vmem_shared>>) offsets(%dma_start3A_240 : memref<128xi32, #tpu.memory_space<vmem>>) semaphore(%arg12 : memref<!tpu.dma_semaphore, #tpu.memory_space<semaphore_mem>>) {add = true}
      %add3A_244 = arith.constant 1 : i32
      %add3A_245 = arith.addi %mul3A_221, %add3A_244 : i32
      %dma_wait3A_246 = arith.constant 0 : i32
      %dma_wait3A_247 = tpu.memref_slice %arg8[%add3A_245, %dma_wait3A_246] : memref<40x128xi32, #tpu.memory_space<vmem>> -> memref<1x128xi32, #tpu.memory_space<vmem>>
      %dma_wait3A_248 = tpu.memref_squeeze %dma_wait3A_247 : memref<1x128xi32, #tpu.memory_space<vmem>> -> memref<128xi32, #tpu.memory_space<vmem>>
      %dma_wait3A_249 = arith.constant 0 : i32
      %dma_wait3A_250 = arith.constant 0 : i32
      %dma_wait3A_251 = tpu.memref_slice %arg11[%dma_wait3A_249, %dma_wait3A_250] : memref<10240x128xf32, #tpu.memory_space<vmem_shared>> -> memref<10240x128xf32, #tpu.memory_space<vmem_shared>>
      tpu.wait_indirect_dma semaphore(%arg13 : memref<!tpu.dma_semaphore, #tpu.memory_space<semaphore_mem>>) src(%arg9 : memref<128x128xf32, #tpu.memory_space<vmem>>) dst(%dma_wait3A_251 : memref<10240x128xf32, #tpu.memory_space<vmem_shared>>)
      %scan3A_252 = arith.constant 0 : i32
      scf.yield %scan3A_252 : i32
    }
    %scan3A_160 = arith.constant 19 : i32
    %dma_start3A_161 = arith.constant 39 : i32
    %dma_start3A_162 = arith.constant 0 : i32
    %dma_start3A_163 = tpu.memref_slice %arg8[%dma_start3A_161, %dma_start3A_162] : memref<40x128xi32, #tpu.memory_space<vmem>> -> memref<1x128xi32, #tpu.memory_space<vmem>>
    %dma_start3A_164 = tpu.memref_squeeze %dma_start3A_163 : memref<1x128xi32, #tpu.memory_space<vmem>> -> memref<128xi32, #tpu.memory_space<vmem>>
    %dma_start3A_165 = arith.constant 0 : i32
    %dma_start3A_166 = arith.constant 0 : i32
    %dma_start3A_167 = tpu.memref_slice %arg11[%dma_start3A_165, %dma_start3A_166] : memref<10240x128xf32, #tpu.memory_space<vmem_shared>> -> memref<10240x128xf32, #tpu.memory_space<vmem_shared>>
    tpu.enqueue_indirect_dma source(%arg9 : memref<128x128xf32, #tpu.memory_space<vmem>>) target(%dma_start3A_167 : memref<10240x128xf32, #tpu.memory_space<vmem_shared>>) offsets(%dma_start3A_164 : memref<128xi32, #tpu.memory_space<vmem>>) semaphore(%arg13 : memref<!tpu.dma_semaphore, #tpu.memory_space<semaphore_mem>>) {add = true}
    %dma_wait3A_168 = arith.constant 38 : i32
    %dma_wait3A_169 = arith.constant 0 : i32
    %dma_wait3A_170 = tpu.memref_slice %arg8[%dma_wait3A_168, %dma_wait3A_169] : memref<40x128xi32, #tpu.memory_space<vmem>> -> memref<1x128xi32, #tpu.memory_space<vmem>>
    %dma_wait3A_171 = tpu.memref_squeeze %dma_wait3A_170 : memref<1x128xi32, #tpu.memory_space<vmem>> -> memref<128xi32, #tpu.memory_space<vmem>>
    %dma_wait3A_172 = arith.constant 0 : i32
    %dma_wait3A_173 = arith.constant 0 : i32
    %dma_wait3A_174 = tpu.memref_slice %arg11[%dma_wait3A_172, %dma_wait3A_173] : memref<10240x128xf32, #tpu.memory_space<vmem_shared>> -> memref<10240x128xf32, #tpu.memory_space<vmem_shared>>
    tpu.wait_indirect_dma semaphore(%arg12 : memref<!tpu.dma_semaphore, #tpu.memory_space<semaphore_mem>>) src(%arg9 : memref<128x128xf32, #tpu.memory_space<vmem>>) dst(%dma_wait3A_174 : memref<10240x128xf32, #tpu.memory_space<vmem_shared>>)
    %dma_wait3A_175 = arith.constant 39 : i32
    %dma_wait3A_176 = arith.constant 0 : i32
    %dma_wait3A_177 = tpu.memref_slice %arg8[%dma_wait3A_175, %dma_wait3A_176] : memref<40x128xi32, #tpu.memory_space<vmem>> -> memref<1x128xi32, #tpu.memory_space<vmem>>
    %dma_wait3A_178 = tpu.memref_squeeze %dma_wait3A_177 : memref<1x128xi32, #tpu.memory_space<vmem>> -> memref<128xi32, #tpu.memory_space<vmem>>
    %dma_wait3A_179 = arith.constant 0 : i32
    %dma_wait3A_180 = arith.constant 0 : i32
    %dma_wait3A_181 = tpu.memref_slice %arg11[%dma_wait3A_179, %dma_wait3A_180] : memref<10240x128xf32, #tpu.memory_space<vmem_shared>> -> memref<10240x128xf32, #tpu.memory_space<vmem_shared>>
    tpu.wait_indirect_dma semaphore(%arg13 : memref<!tpu.dma_semaphore, #tpu.memory_space<semaphore_mem>>) src(%arg9 : memref<128x128xf32, #tpu.memory_space<vmem>>) dst(%dma_wait3A_181 : memref<10240x128xf32, #tpu.memory_space<vmem_shared>>)
    "tpu.region"() ({
      %run_scoped3A = tpu.sem_alloc : memref<!tpu.dma_semaphore, #tpu.memory_space<semaphore_mem>>
      %dma_start3A_218 = arith.constant 0 : i32
      %dma_start3A_219 = tpu.memref_slice %arg4[%mul3A_4, %dma_start3A_218] : memref<2560x128xi32, #tpu.memory_space<hbm>> -> memref<40x128xi32, #tpu.memory_space<hbm>>
      %dma_start3A_220 = arith.constant 0 : i32
      %dma_start3A_221 = tpu.memref_slice %arg4[%mul3A_4, %dma_start3A_220] : memref<2560x128xi32, #tpu.memory_space<hbm>> -> memref<40x128xi32, #tpu.memory_space<hbm>>
      tpu.enqueue_dma source(%dma_start3A_221 : memref<40x128xi32, #tpu.memory_space<hbm>>) target(%arg8 : memref<40x128xi32, #tpu.memory_space<vmem>>) target_semaphore(%run_scoped3A : memref<!tpu.dma_semaphore, #tpu.memory_space<semaphore_mem>>)
      %dma_wait3A_222 = arith.constant 0 : i32
      %dma_wait3A_223 = tpu.memref_slice %arg4[%mul3A_4, %dma_wait3A_222] : memref<2560x128xi32, #tpu.memory_space<hbm>> -> memref<40x128xi32, #tpu.memory_space<hbm>>
      %dma_wait3A_224 = arith.constant 0 : i32
      %dma_wait3A_225 = tpu.memref_slice %arg4[%mul3A_4, %dma_wait3A_224] : memref<2560x128xi32, #tpu.memory_space<hbm>> -> memref<40x128xi32, #tpu.memory_space<hbm>>
      tpu.wait_dma2 semaphore(%run_scoped3A : memref<!tpu.dma_semaphore, #tpu.memory_space<semaphore_mem>>) src(%dma_wait3A_225 : memref<40x128xi32, #tpu.memory_space<hbm>>) dst(%arg8 : memref<40x128xi32, #tpu.memory_space<vmem>>)
      tpu.yield
    }) : () -> ()
    %dma_start3A_182 = arith.constant 0 : i32
    %dma_start3A_183 = arith.constant 0 : i32
    %dma_start3A_184 = tpu.memref_slice %arg8[%dma_start3A_182, %dma_start3A_183] : memref<40x128xi32, #tpu.memory_space<vmem>> -> memref<1x128xi32, #tpu.memory_space<vmem>>
    %dma_start3A_185 = tpu.memref_squeeze %dma_start3A_184 : memref<1x128xi32, #tpu.memory_space<vmem>> -> memref<128xi32, #tpu.memory_space<vmem>>
    %dma_start3A_186 = arith.constant 0 : i32
    %dma_start3A_187 = arith.constant 0 : i32
    %dma_start3A_188 = tpu.memref_slice %arg11[%dma_start3A_186, %dma_start3A_187] : memref<10240x128xf32, #tpu.memory_space<vmem_shared>> -> memref<10240x128xf32, #tpu.memory_space<vmem_shared>>
    tpu.enqueue_indirect_dma source(%arg9 : memref<128x128xf32, #tpu.memory_space<vmem>>) target(%dma_start3A_188 : memref<10240x128xf32, #tpu.memory_space<vmem_shared>>) offsets(%dma_start3A_185 : memref<128xi32, #tpu.memory_space<vmem>>) semaphore(%arg12 : memref<!tpu.dma_semaphore, #tpu.memory_space<semaphore_mem>>) {add = true}
    %scan3A_189 = arith.constant 0 : i32
    %scan3A_190 = arith.constant 0 : i32
    %scan3A_191 = arith.constant 19 : i32
    %scan3A_192 = arith.addi %scan3A_190, %scan3A_191 : i32
    %scan3A_193 = arith.constant 1 : i32
    %scan3A_194 = scf.for %scan3A_218 = %scan3A_190 to %scan3A_192 step %scan3A_193 iter_args(%scan3A_219 = %scan3A_189) -> (i32)  : i32 {
      %mul3A_220 = arith.constant 2 : i32
      %mul3A_221 = arith.muli %mul3A_220, %scan3A_218 : i32
      %add3A_222 = arith.constant 1 : i32
      %add3A_223 = arith.addi %mul3A_221, %add3A_222 : i32
      %dma_start3A_224 = arith.constant 0 : i32
      %dma_start3A_225 = tpu.memref_slice %arg8[%add3A_223, %dma_start3A_224] : memref<40x128xi32, #tpu.memory_space<vmem>> -> memref<1x128xi32, #tpu.memory_space<vmem>>
      %dma_start3A_226 = tpu.memref_squeeze %dma_start3A_225 : memref<1x128xi32, #tpu.memory_space<vmem>> -> memref<128xi32, #tpu.memory_space<vmem>>
      %dma_start3A_227 = arith.constant 0 : i32
      %dma_start3A_228 = arith.constant 0 : i32
      %dma_start3A_229 = tpu.memref_slice %arg11[%dma_start3A_227, %dma_start3A_228] : memref<10240x128xf32, #tpu.memory_space<vmem_shared>> -> memref<10240x128xf32, #tpu.memory_space<vmem_shared>>
      tpu.enqueue_indirect_dma source(%arg9 : memref<128x128xf32, #tpu.memory_space<vmem>>) target(%dma_start3A_229 : memref<10240x128xf32, #tpu.memory_space<vmem_shared>>) offsets(%dma_start3A_226 : memref<128xi32, #tpu.memory_space<vmem>>) semaphore(%arg13 : memref<!tpu.dma_semaphore, #tpu.memory_space<semaphore_mem>>) {add = true}
      %dma_wait3A_230 = arith.constant 0 : i32
      %dma_wait3A_231 = tpu.memref_slice %arg8[%mul3A_221, %dma_wait3A_230] : memref<40x128xi32, #tpu.memory_space<vmem>> -> memref<1x128xi32, #tpu.memory_space<vmem>>
      %dma_wait3A_232 = tpu.memref_squeeze %dma_wait3A_231 : memref<1x128xi32, #tpu.memory_space<vmem>> -> memref<128xi32, #tpu.memory_space<vmem>>
      %dma_wait3A_233 = arith.constant 0 : i32
      %dma_wait3A_234 = arith.constant 0 : i32
      %dma_wait3A_235 = tpu.memref_slice %arg11[%dma_wait3A_233, %dma_wait3A_234] : memref<10240x128xf32, #tpu.memory_space<vmem_shared>> -> memref<10240x128xf32, #tpu.memory_space<vmem_shared>>
      tpu.wait_indirect_dma semaphore(%arg12 : memref<!tpu.dma_semaphore, #tpu.memory_space<semaphore_mem>>) src(%arg9 : memref<128x128xf32, #tpu.memory_space<vmem>>) dst(%dma_wait3A_235 : memref<10240x128xf32, #tpu.memory_space<vmem_shared>>)
      %add3A_236 = arith.constant 2 : i32
      %add3A_237 = arith.addi %mul3A_221, %add3A_236 : i32
      %dma_start3A_238 = arith.constant 0 : i32
      %dma_start3A_239 = tpu.memref_slice %arg8[%add3A_237, %dma_start3A_238] : memref<40x128xi32, #tpu.memory_space<vmem>> -> memref<1x128xi32, #tpu.memory_space<vmem>>
      %dma_start3A_240 = tpu.memref_squeeze %dma_start3A_239 : memref<1x128xi32, #tpu.memory_space<vmem>> -> memref<128xi32, #tpu.memory_space<vmem>>
      %dma_start3A_241 = arith.constant 0 : i32
      %dma_start3A_242 = arith.constant 0 : i32
      %dma_start3A_243 = tpu.memref_slice %arg11[%dma_start3A_241, %dma_start3A_242] : memref<10240x128xf32, #tpu.memory_space<vmem_shared>> -> memref<10240x128xf32, #tpu.memory_space<vmem_shared>>
      tpu.enqueue_indirect_dma source(%arg9 : memref<128x128xf32, #tpu.memory_space<vmem>>) target(%dma_start3A_243 : memref<10240x128xf32, #tpu.memory_space<vmem_shared>>) offsets(%dma_start3A_240 : memref<128xi32, #tpu.memory_space<vmem>>) semaphore(%arg12 : memref<!tpu.dma_semaphore, #tpu.memory_space<semaphore_mem>>) {add = true}
      %add3A_244 = arith.constant 1 : i32
      %add3A_245 = arith.addi %mul3A_221, %add3A_244 : i32
      %dma_wait3A_246 = arith.constant 0 : i32
      %dma_wait3A_247 = tpu.memref_slice %arg8[%add3A_245, %dma_wait3A_246] : memref<40x128xi32, #tpu.memory_space<vmem>> -> memref<1x128xi32, #tpu.memory_space<vmem>>
      %dma_wait3A_248 = tpu.memref_squeeze %dma_wait3A_247 : memref<1x128xi32, #tpu.memory_space<vmem>> -> memref<128xi32, #tpu.memory_space<vmem>>
      %dma_wait3A_249 = arith.constant 0 : i32
      %dma_wait3A_250 = arith.constant 0 : i32
      %dma_wait3A_251 = tpu.memref_slice %arg11[%dma_wait3A_249, %dma_wait3A_250] : memref<10240x128xf32, #tpu.memory_space<vmem_shared>> -> memref<10240x128xf32, #tpu.memory_space<vmem_shared>>
      tpu.wait_indirect_dma semaphore(%arg13 : memref<!tpu.dma_semaphore, #tpu.memory_space<semaphore_mem>>) src(%arg9 : memref<128x128xf32, #tpu.memory_space<vmem>>) dst(%dma_wait3A_251 : memref<10240x128xf32, #tpu.memory_space<vmem_shared>>)
      %scan3A_252 = arith.constant 0 : i32
      scf.yield %scan3A_252 : i32
    }
    %scan3A_195 = arith.constant 19 : i32
    %dma_start3A_196 = arith.constant 39 : i32
    %dma_start3A_197 = arith.constant 0 : i32
    %dma_start3A_198 = tpu.memref_slice %arg8[%dma_start3A_196, %dma_start3A_197] : memref<40x128xi32, #tpu.memory_space<vmem>> -> memref<1x128xi32, #tpu.memory_space<vmem>>
    %dma_start3A_199 = tpu.memref_squeeze %dma_start3A_198 : memref<1x128xi32, #tpu.memory_space<vmem>> -> memref<128xi32, #tpu.memory_space<vmem>>
    %dma_start3A_200 = arith.constant 0 : i32
    %dma_start3A_201 = arith.constant 0 : i32
    %dma_start3A_202 = tpu.memref_slice %arg11[%dma_start3A_200, %dma_start3A_201] : memref<10240x128xf32, #tpu.memory_space<vmem_shared>> -> memref<10240x128xf32, #tpu.memory_space<vmem_shared>>
    tpu.enqueue_indirect_dma source(%arg9 : memref<128x128xf32, #tpu.memory_space<vmem>>) target(%dma_start3A_202 : memref<10240x128xf32, #tpu.memory_space<vmem_shared>>) offsets(%dma_start3A_199 : memref<128xi32, #tpu.memory_space<vmem>>) semaphore(%arg13 : memref<!tpu.dma_semaphore, #tpu.memory_space<semaphore_mem>>) {add = true}
    %dma_wait3A_203 = arith.constant 38 : i32
    %dma_wait3A_204 = arith.constant 0 : i32
    %dma_wait3A_205 = tpu.memref_slice %arg8[%dma_wait3A_203, %dma_wait3A_204] : memref<40x128xi32, #tpu.memory_space<vmem>> -> memref<1x128xi32, #tpu.memory_space<vmem>>
    %dma_wait3A_206 = tpu.memref_squeeze %dma_wait3A_205 : memref<1x128xi32, #tpu.memory_space<vmem>> -> memref<128xi32, #tpu.memory_space<vmem>>
    %dma_wait3A_207 = arith.constant 0 : i32
    %dma_wait3A_208 = arith.constant 0 : i32
    %dma_wait3A_209 = tpu.memref_slice %arg11[%dma_wait3A_207, %dma_wait3A_208] : memref<10240x128xf32, #tpu.memory_space<vmem_shared>> -> memref<10240x128xf32, #tpu.memory_space<vmem_shared>>
    tpu.wait_indirect_dma semaphore(%arg12 : memref<!tpu.dma_semaphore, #tpu.memory_space<semaphore_mem>>) src(%arg9 : memref<128x128xf32, #tpu.memory_space<vmem>>) dst(%dma_wait3A_209 : memref<10240x128xf32, #tpu.memory_space<vmem_shared>>)
    %dma_wait3A_210 = arith.constant 39 : i32
    %dma_wait3A_211 = arith.constant 0 : i32
    %dma_wait3A_212 = tpu.memref_slice %arg8[%dma_wait3A_210, %dma_wait3A_211] : memref<40x128xi32, #tpu.memory_space<vmem>> -> memref<1x128xi32, #tpu.memory_space<vmem>>
    %dma_wait3A_213 = tpu.memref_squeeze %dma_wait3A_212 : memref<1x128xi32, #tpu.memory_space<vmem>> -> memref<128xi32, #tpu.memory_space<vmem>>
    %dma_wait3A_214 = arith.constant 0 : i32
    %dma_wait3A_215 = arith.constant 0 : i32
    %dma_wait3A_216 = tpu.memref_slice %arg11[%dma_wait3A_214, %dma_wait3A_215] : memref<10240x128xf32, #tpu.memory_space<vmem_shared>> -> memref<10240x128xf32, #tpu.memory_space<vmem_shared>>
    tpu.wait_indirect_dma semaphore(%arg13 : memref<!tpu.dma_semaphore, #tpu.memory_space<semaphore_mem>>) src(%arg9 : memref<128x128xf32, #tpu.memory_space<vmem>>) dst(%dma_wait3A_216 : memref<10240x128xf32, #tpu.memory_space<vmem_shared>>)
    %barrier3A_217 = arith.constant 0 : index
    tpu.barrier barrier_id(%barrier3A_217)
    "tpu.region"() ({
      %run_scoped3A = tpu.sem_alloc : memref<!tpu.dma_semaphore, #tpu.memory_space<semaphore_mem>>
      %dma_start3A_218 = arith.constant 0 : i32
      %dma_start3A_219 = tpu.memref_slice %arg6[%arg0, %mul3A_2, %dma_start3A_218] : memref<2x10240x128xf32, #tpu.memory_space<hbm>> -> memref<1x640x128xf32, #tpu.memory_space<hbm>>
      %dma_start3A_220 = tpu.memref_squeeze %dma_start3A_219 : memref<1x640x128xf32, #tpu.memory_space<hbm>> -> memref<640x128xf32, #tpu.memory_space<hbm>>
      %dma_start3A_221 = arith.constant 0 : i32
      %dma_start3A_222 = tpu.memref_slice %arg11[%mul3A_2, %dma_start3A_221] : memref<10240x128xf32, #tpu.memory_space<vmem_shared>> -> memref<640x128xf32, #tpu.memory_space<vmem_shared>>
      tpu.enqueue_dma source(%dma_start3A_222 : memref<640x128xf32, #tpu.memory_space<vmem_shared>>) target(%dma_start3A_220 : memref<640x128xf32, #tpu.memory_space<hbm>>) target_semaphore(%run_scoped3A : memref<!tpu.dma_semaphore, #tpu.memory_space<semaphore_mem>>)
      %dma_wait3A_223 = arith.constant 0 : i32
      %dma_wait3A_224 = tpu.memref_slice %arg6[%arg0, %mul3A_2, %dma_wait3A_223] : memref<2x10240x128xf32, #tpu.memory_space<hbm>> -> memref<1x640x128xf32, #tpu.memory_space<hbm>>
      %dma_wait3A_225 = tpu.memref_squeeze %dma_wait3A_224 : memref<1x640x128xf32, #tpu.memory_space<hbm>> -> memref<640x128xf32, #tpu.memory_space<hbm>>
      %dma_wait3A_226 = arith.constant 0 : i32
      %dma_wait3A_227 = tpu.memref_slice %arg11[%mul3A_2, %dma_wait3A_226] : memref<10240x128xf32, #tpu.memory_space<vmem_shared>> -> memref<640x128xf32, #tpu.memory_space<vmem_shared>>
      tpu.wait_dma2 semaphore(%run_scoped3A : memref<!tpu.dma_semaphore, #tpu.memory_space<semaphore_mem>>) src(%dma_wait3A_227 : memref<640x128xf32, #tpu.memory_space<vmem_shared>>) dst(%dma_wait3A_225 : memref<640x128xf32, #tpu.memory_space<hbm>>)
      tpu.yield
    }) : () -> ()
    return
  }
}

module attributes {stable_mosaic.version = 14 : i64} {
  func.func @_tc_body(%arg0: i32, %arg1: memref<2x1000x128xf32, #tpu.memory_space<vmem>>, %arg2: memref<2x1000x128xf32, #tpu.memory_space<vmem>>, %arg3: memref<1000x128xf32, #tpu.memory_space<vmem>>, %arg4: memref<128x128xf32, #tpu.memory_space<vmem>>, %arg5: memref<128x128xf32, #tpu.memory_space<vmem>>, %arg6: memref<1x128xf32, #tpu.memory_space<vmem>>, %arg7: memref<1000x128xf32, #tpu.memory_space<vmem>>) attributes {dimension_semantics = [#tpu.dimension_semantics<arbitrary>], iteration_bounds = array<i64: 10>, scalar_prefetch = 0 : i64, scratch_operands = 0 : i64, tpu.core_type = #tpu.core_type<tc>, window_params = [{transform_indices = @transform_0, window_bounds = array<i64: 2, 1000, 128>}, {transform_indices = @transform_1, window_bounds = array<i64: 2, 1000, 128>}, {transform_indices = @transform_2, window_bounds = array<i64: 1000, 128>}, {pipeline_mode = #tpu.pipeline_mode<synchronous>, transform_indices = @transform_3, window_bounds = array<i64: 128, 128>}, {pipeline_mode = #tpu.pipeline_mode<synchronous>, transform_indices = @transform_4, window_bounds = array<i64: 128, 128>}, {pipeline_mode = #tpu.pipeline_mode<synchronous>, transform_indices = @transform_5, window_bounds = array<i64: 1, 128>}, {transform_indices = @transform_6, window_bounds = array<i64: 1000, 128>}]} {
    %get3A = arith.constant 0 : index
    %get3A_0 = arith.constant 0 : index
    %get3A_1 = arith.constant 0 : index
    %get3A_2 = vector.load %arg1[%get3A, %get3A_0, %get3A_1] : memref<2x1000x128xf32, #tpu.memory_space<vmem>>, vector<2x1000x128xf32>
    %slice3A = vector.extract_strided_slice %get3A_2 {offsets = [0, 0, 0], sizes = [1, 1000, 128], strides = [1, 1, 1]} : vector<2x1000x128xf32> to vector<1x1000x128xf32>
    %squeeze3A = vector.shape_cast %slice3A : vector<1x1000x128xf32> to vector<1000x128xf32>
    %slice3A_3 = vector.extract_strided_slice %get3A_2 {offsets = [1, 0, 0], sizes = [1, 1000, 128], strides = [1, 1, 1]} : vector<2x1000x128xf32> to vector<1x1000x128xf32>
    %squeeze3A_4 = vector.shape_cast %slice3A_3 : vector<1x1000x128xf32> to vector<1000x128xf32>
    %add3A = arith.addf %squeeze3A, %squeeze3A_4 : vector<1000x128xf32>
    %get3A_5 = arith.constant 0 : index
    %get3A_6 = arith.constant 0 : index
    %get3A_7 = arith.constant 0 : index
    %get3A_8 = vector.load %arg2[%get3A_5, %get3A_6, %get3A_7] : memref<2x1000x128xf32, #tpu.memory_space<vmem>>, vector<2x1000x128xf32>
    %slice3A_9 = vector.extract_strided_slice %get3A_8 {offsets = [0, 0, 0], sizes = [1, 1000, 128], strides = [1, 1, 1]} : vector<2x1000x128xf32> to vector<1x1000x128xf32>
    %squeeze3A_10 = vector.shape_cast %slice3A_9 : vector<1x1000x128xf32> to vector<1000x128xf32>
    %slice3A_11 = vector.extract_strided_slice %get3A_8 {offsets = [1, 0, 0], sizes = [1, 1000, 128], strides = [1, 1, 1]} : vector<2x1000x128xf32> to vector<1x1000x128xf32>
    %squeeze3A_12 = vector.shape_cast %slice3A_11 : vector<1x1000x128xf32> to vector<1000x128xf32>
    %add3A_13 = arith.addf %squeeze3A_10, %squeeze3A_12 : vector<1000x128xf32>
    %slice3A_14 = vector.extract_strided_slice %add3A_13 {offsets = [0, 0], sizes = [1000, 1], strides = [1, 1]} : vector<1000x128xf32> to vector<1000x1xf32>
    %max3A = arith.constant 1.000000e+00 : f32
    %max3A_15 = vector.broadcast %max3A : f32 to vector<1000x1xf32>
    %max3A_16 = arith.maximumf %slice3A_14, %max3A_15 : vector<1000x1xf32>
    %div3A = vector.broadcast %max3A_16 : vector<1000x1xf32> to vector<1000x128xf32>
    %div3A_17 = arith.divf %add3A, %div3A : vector<1000x128xf32>
    %get3A_18 = arith.constant 0 : index
    %get3A_19 = arith.constant 0 : index
    %get3A_20 = vector.load %arg4[%get3A_18, %get3A_19] : memref<128x128xf32, #tpu.memory_space<vmem>>, vector<128x128xf32>
    %dot_general3A = arith.constant dense<0.000000e+00> : vector<1000x128xf32>
    %dot_general3A_21 = tpu.matmul %div3A_17, %get3A_20, %dot_general3A {dimension_numbers = #tpu.dot_dimension_numbers<[1], [0], [0], [1], [0, 0, 1, 1], [], []>, transpose_lhs_hint = false} : vector<1000x128xf32>, vector<128x128xf32>, vector<1000x128xf32> -> vector<1000x128xf32>
    %get3A_22 = arith.constant 0 : index
    %get3A_23 = arith.constant 0 : index
    %get3A_24 = vector.load %arg3[%get3A_22, %get3A_23] : memref<1000x128xf32, #tpu.memory_space<vmem>>, vector<1000x128xf32>
    %get3A_25 = arith.constant 0 : index
    %get3A_26 = arith.constant 0 : index
    %get3A_27 = vector.load %arg5[%get3A_25, %get3A_26] : memref<128x128xf32, #tpu.memory_space<vmem>>, vector<128x128xf32>
    %dot_general3A_28 = arith.constant dense<0.000000e+00> : vector<1000x128xf32>
    %dot_general3A_29 = tpu.matmul %get3A_24, %get3A_27, %dot_general3A_28 {dimension_numbers = #tpu.dot_dimension_numbers<[1], [0], [0], [1], [0, 0, 1, 1], [], []>, transpose_lhs_hint = false} : vector<1000x128xf32>, vector<128x128xf32>, vector<1000x128xf32> -> vector<1000x128xf32>
    %add3A_30 = arith.addf %dot_general3A_21, %dot_general3A_29 : vector<1000x128xf32>
    %get3A_31 = arith.constant 0 : index
    %get3A_32 = arith.constant 0 : index
    %get3A_33 = vector.load %arg6[%get3A_31, %get3A_32] : memref<1x128xf32, #tpu.memory_space<vmem>>, vector<1x128xf32>
    %add3A_34 = vector.broadcast %get3A_33 : vector<1x128xf32> to vector<1000x128xf32>
    %add3A_35 = arith.addf %add3A_30, %add3A_34 : vector<1000x128xf32>
    %max3A_36 = arith.constant 0.000000e+00 : f32
    %max3A_37 = vector.broadcast %max3A_36 : f32 to vector<1000x128xf32>
    %max3A_38 = arith.maximumf %add3A_35, %max3A_37 : vector<1000x128xf32>
    %reduce_max3A = arith.constant dense<0xFF800000> : vector<1000xf32>
    %reduce_max3A_39 = vector.multi_reduction <maximumf>, %max3A_38, %reduce_max3A [1] : vector<1000x128xf32> to vector<1000xf32>
    %broadcast_in_dim3A = vector.shape_cast %reduce_max3A_39 : vector<1000xf32> to vector<1000x1xf32>
    %sub3A = vector.broadcast %broadcast_in_dim3A : vector<1000x1xf32> to vector<1000x128xf32>
    %sub3A_40 = arith.subf %max3A_38, %sub3A : vector<1000x128xf32>
    %exp3A = math.exp %sub3A_40 : vector<1000x128xf32>
    %reduce_sum3A = arith.constant dense<0.000000e+00> : vector<1000xf32>
    %reduce_sum3A_41 = vector.multi_reduction <add>, %exp3A, %reduce_sum3A [1] : vector<1000x128xf32> to vector<1000xf32>
    %broadcast_in_dim3A_42 = vector.shape_cast %reduce_sum3A_41 : vector<1000xf32> to vector<1000x1xf32>
    %log3A = math.log %broadcast_in_dim3A_42 : vector<1000x1xf32>
    %add3A_43 = arith.addf %log3A, %broadcast_in_dim3A : vector<1000x1xf32>
    %sub3A_44 = vector.broadcast %add3A_43 : vector<1000x1xf32> to vector<1000x128xf32>
    %sub3A_45 = arith.subf %max3A_38, %sub3A_44 : vector<1000x128xf32>
    %swap3A = arith.constant 0 : index
    %swap3A_46 = arith.constant 0 : index
    %swap3A_47 = vector.load %arg7[%swap3A, %swap3A_46] : memref<1000x128xf32, #tpu.memory_space<vmem>>, vector<1000x128xf32>
    tpu.vector_store %arg7[%swap3A, %swap3A_46], %sub3A_45 {strides = array<i32>} : memref<1000x128xf32, #tpu.memory_space<vmem>>, vector<1000x128xf32>,
    return
  }
  func.func @transform_0(%arg0: i32) -> (i32, i32, i32) {
    %c0_i32 = arith.constant 0 : i32
    %c0_i32_0 = arith.constant 0 : i32
    %c0_i32_1 = arith.constant 0 : i32
    return %c0_i32, %arg0, %c0_i32_0 : i32, i32, i32
  }
  func.func @transform_1(%arg0: i32) -> (i32, i32, i32) {
    %c0_i32 = arith.constant 0 : i32
    %c0_i32_0 = arith.constant 0 : i32
    %c0_i32_1 = arith.constant 0 : i32
    return %c0_i32, %arg0, %c0_i32_0 : i32, i32, i32
  }
  func.func @transform_2(%arg0: i32) -> (i32, i32) {
    %c0_i32 = arith.constant 0 : i32
    %c0_i32_0 = arith.constant 0 : i32
    return %arg0, %c0_i32 : i32, i32
  }
  func.func @transform_3(%arg0: i32) -> (i32, i32) {
    %c0_i32 = arith.constant 0 : i32
    %c0_i32_0 = arith.constant 0 : i32
    %c0_i32_1 = arith.constant 0 : i32
    return %c0_i32, %c0_i32_0 : i32, i32
  }
  func.func @transform_4(%arg0: i32) -> (i32, i32) {
    %c0_i32 = arith.constant 0 : i32
    %c0_i32_0 = arith.constant 0 : i32
    %c0_i32_1 = arith.constant 0 : i32
    return %c0_i32, %c0_i32_0 : i32, i32
  }
  func.func @transform_5(%arg0: i32) -> (i32, i32) {
    %c0_i32 = arith.constant 0 : i32
    %c0_i32_0 = arith.constant 0 : i32
    %c0_i32_1 = arith.constant 0 : i32
    return %c0_i32, %c0_i32_0 : i32, i32
  }
  func.func @transform_6(%arg0: i32) -> (i32, i32) {
    %c0_i32 = arith.constant 0 : i32
    %c0_i32_0 = arith.constant 0 : i32
    return %arg0, %c0_i32 : i32, i32
  }
}

</mosaic_0001>

<sc_bundles>
// kernel: kernel.4.cloned.1.call-start
scs
__scs_entry_jumppad:
0x0: {  	(pc) =	sbr.rel $0x88, $3  }
0x1: {  	(tag) =	ssettag $0x0;
	lr =	simm.s32 $0x1  }
0x2: {  	[smem:$0x3F9C] =	sst lr;
	_ =	strace $0xD0000000  }
0x3: {  	_ = 	snop  }
0x4: {  	_ = 	snop  }
0x5: {  	_ = 	snop  }
0x6: {  	_ = 	snop  }
0x7: {  	_ = 	snop  }
__scs_overlays_trampoline_lowered:
0x8: {  	[smem:$0x3FAB] =	sst s0  }
0x9: {  	[smem:$0x3FAC] =	sst s1  }
0xa: {  	[smem:$0x3FAD] =	sst s2  }
0xb: {  	[smem:$0x3FAE] =	sst s3  }
0xc: {  	[smem:$0x3FAF] =	sst s4  }
0xd: {  	[smem:$0x3FB0] =	sst s5  }
0xe: {  	[smem:$0x3FB1] =	sst s6  }
0xf: {  	[smem:$0x3FB2] =	sst s7  }
0x10: {  	[smem:$0x3FB3] =	sst s8  }
0x11: {  	[smem:$0x3FB4] =	sst s9;
	s0 =	simm.s32 @!p0 $0x0  }
0x12: {  	s1 =	sld [smem:$0x3F9A];
	s0 =	simm.s32 @p0 $0x1  }
0x13: {  	[smem:$0x3FB5] =	sst s0;
	s0 =	simm.s32 @!p1 $0x0  }
0x14: {  	s2 =	sld [smem:$0x3F99];
	s0 =	simm.s32 @p1 $0x1  }
0x15: {  	[smem:$0x3FB6] =	sst s0;
	s0 =	simm.s32 @!p2 $0x0  }
0x16: {  	s3 =	sld [smem:$0x3FDB];
	s0 =	simm.s32 @p2 $0x1  }
0x17: {  	s4 =	simm.s32 $0x1BF5;
	[smem:$0x3FB8] =	sst s0  }
0x18: {  	s0 =	sld [smem:$0x3F9B];
	_ =	swait.ge [sflag:s4], $0x0  }
0x19: {  	s7 =	sld [smem:$0x3F9C]  }
0x1a: {  	s8 =	sadd.s32 $0xFFFFE003, lr  }
0x1b: {  	s9 =	sadd.s32 $0xFFFFFEF7, lr;
	s5 =	simm.s32 $0xFFFFFFFF;
	p2 =	slt.u32 s8, $0xFFFFF086  }
0x1c: {  	p1 =	slt.u32 s9, $0xF7A;
	s5 =	simm.s32 @!p2 $0x0  }
0x1d: {  	s5 =	simm.s32 @p1 $0x1;
	p0 =	seq.s32 s7, s2  }
0x1e: {  	s7 =	smul.u32 @!p0 $0xF7A, s2;
	p2 =	seq.s32 @!p0 s5, $0x0  }
0x1f: {  	s9 =	smul.u32 $0xF7A, s1;
	s8 =	simm.s32 @!p0 $0x1BF5;
	p2 =	por !p2, p0  }
0x20: {  	[sflag:s8] =	ssyncset.s32 @!p0 $0xFFFFF086;
	s6 =	sadd.s32 @!p0 s3, s7;
	s7 =	simm.s32 @!p0 $0x108  }
0x21: {  	s3 =	sadd.s32 s3, s9;
	s6 =	sadd.s32 @!p0 $0x88, s6;
	s7 =	simm.s32 @p2 $0x1082  }
0x22: {  	[simem:s7], [sflag:s8] =	dma.local @!p0 [hbm:s6], $0xF7A  }
0x23: {  	s9 =	sor.u32 $0xD0000000, s2;
	s6 =	simm.s32 $0x108;
	_ =	swait.ge @!p0 [sflag:s8], $0x0  }
0x24: {  	s3 =	sadd.s32 $0x88, s3;
	s6 =	simm.s32 @!p1 $0x1082;
	[sflag:s4] =	ssyncset.s32 $0xFFFFF086  }
0x25: {  	[simem:s6], [sflag:s4] =	dma.local [hbm:s3], $0xF7A  }
0x26: {  	[smem:$0x3F9C] =	sst s1;
	(tag) =	ssettag s2;
	_ =	strace s9  }
0x27: {  	s1 =	sld [smem:$0x3FAC]  }
0x28: {  	s2 =	sld [smem:$0x3FAD]  }
0x29: {  	s4 =	sld [smem:$0x3FAF]  }
0x2a: {  	p0 =	seq.s32 s5, $0x0;
	s5 =	sld [smem:$0x3FB0]  }
0x2b: {  	s6 =	sld [smem:$0x3FB1]  }
0x2c: {  	s7 =	sld [smem:$0x3FB2]  }
0x2d: {  	s3 =	simm.s32 $0x108;
	s8 =	sld [smem:$0x3FB3]  }
0x2e: {  	s3 =	simm.s32 @!p0 $0x1082;
	s9 =	sld [smem:$0x3FB4]  }
0x2f: {  	lr =	sadd.s32 s0, s3;
	s0 =	sld [smem:$0x3FAB]  }
0x30: {  	s3 =	sld [smem:$0x3FAE]  }
0x31: {  	[smem:$0x3FB7] =	sst s10  }
0x32: {  	s10 =	sld [smem:$0x3FB5];
	_ =	sdelay $0x3  }
0x33: {  	p0 =	seq.s32 s10, $0x1;
	s10 =	sld [smem:$0x3FB7];
	_ =	sdelay $0x3  }
0x34: {  	[smem:$0x3FB7] =	sst s10  }
0x35: {  	s10 =	sld [smem:$0x3FB6];
	_ =	sdelay $0x3  }
0x36: {  	p1 =	seq.s32 s10, $0x1;
	s10 =	sld [smem:$0x3FB7];
	_ =	sdelay $0x3  }
0x37: {  	[smem:$0x3FB7] =	sst s10  }
0x38: {  	s10 =	sld [smem:$0x3FB8]  }
0x39: {  	_ = 	snop;
	(pc) =	sbr.ind lr, $3  }
0x3a: {  	_ = 	snop  }
0x3b: {  	_ = 	snop  }
0x3c: {  	p2 =	seq.s32 s10, $0x1;
	s10 =	sld [smem:$0x3FB7]  }
0x3d: {  	_ =	shalt  }
0x3e: {  	_ =	shalt  }
0x3f: {  	_ =	shalt  }
0x40: {  	_ =	shalt  }
0x41: {  	_ =	shalt  }
0x42: {  	_ =	shalt  }
0x43: {  	_ =	shalt  }
0x44: {  	_ =	shalt  }
0x45: {  	_ =	shalt  }
0x46: {  	_ =	shalt  }
0x47: {  	_ =	shalt  }
0x48: {  	_ =	shalt  }
0x49: {  	_ =	shalt  }
0x4a: {  	_ =	shalt  }
0x4b: {  	_ =	shalt  }
0x4c: {  	_ =	shalt  }
0x4d: {  	_ =	shalt  }
0x4e: {  	_ =	shalt  }
0x4f: {  	_ =	shalt  }
0x50: {  	_ =	shalt  }
0x51: {  	_ =	shalt  }
0x52: {  	_ =	shalt  }
0x53: {  	_ =	shalt  }
0x54: {  	_ =	shalt  }
0x55: {  	_ =	shalt  }
0x56: {  	_ =	shalt  }
0x57: {  	_ =	shalt  }
0x58: {  	_ =	shalt  }
0x59: {  	_ =	shalt  }
0x5a: {  	_ =	shalt  }
0x5b: {  	_ =	shalt  }
0x5c: {  	_ =	shalt  }
0x5d: {  	_ =	shalt  }
0x5e: {  	_ =	shalt  }
0x5f: {  	_ =	shalt  }
0x60: {  	_ =	shalt  }
0x61: {  	_ =	shalt  }
0x62: {  	_ =	shalt  }
0x63: {  	_ =	shalt  }
0x64: {  	_ =	shalt  }
0x65: {  	_ =	shalt  }
0x66: {  	_ =	shalt  }
0x67: {  	_ =	shalt  }
0x68: {  	_ =	shalt  }
0x69: {  	_ =	shalt  }
0x6a: {  	_ =	shalt  }
0x6b: {  	_ =	shalt  }
0x6c: {  	_ =	shalt  }
0x6d: {  	_ =	shalt  }
0x6e: {  	_ =	shalt  }
0x6f: {  	_ =	shalt  }
0x70: {  	_ =	shalt  }
0x71: {  	_ =	shalt  }
0x72: {  	_ =	shalt  }
0x73: {  	_ =	shalt  }
0x74: {  	_ =	shalt  }
0x75: {  	_ =	shalt  }
0x76: {  	_ =	shalt  }
0x77: {  	_ =	shalt  }
0x78: {  	_ =	shalt  }
0x79: {  	_ =	shalt  }
0x7a: {  	_ =	shalt  }
0x7b: {  	_ =	shalt  }
0x7c: {  	_ =	shalt  }
0x7d: {  	_ =	shalt  }
0x7e: {  	_ =	shalt  }
0x7f: {  	_ =	shalt  }
0x80: {  	_ =	shalt  }
0x81: {  	_ =	shalt  }
0x82: {  	_ =	shalt  }
0x83: {  	_ =	shalt  }
0x84: {  	_ =	shalt  }
0x85: {  	_ =	shalt  }
0x86: {  	_ =	shalt  }
0x87: {  	_ =	shalt  }
.Lfunc_end0:
.L_simem_size_0:
called_computation_lowered:
.L_overlay_start_0:
0x88: {  	s2 =	sld [smem:$0x3FD9]  }
0x89: {  	s3 =	sld [smem:$0x3FFE];
	_ =	sdelay $0x1  }
0x8a: {  	s1 =	srdreg.scid  }
0x8b: {  	s0 =	sand.u32 $0x1, s1  }
0x8c: {  	s17 =	sshll.u32 s0, $0xA;
	s2 =	sadd.s32 s3, s2  }
0x8d: {  	s2 =	sadd.s32 s2, s17  }
0x8e: {  	[smem:$0x3FC3] =	sst s2  }
0x8f: {  	_ = 	snop  }
0x90: {  	s2 =	sld [smem:$0x3FC9]  }
0x91: {  	s18 =	sld [smem:$0x3FD0];
	(tm) =	ssettm $0x1  }
0x92: {  	s4 =	sld [smem:$0x3FFB];
	_ =	sdelay $0x3  }
0x93: {  	_ =	strace s4  }
0x94: {  	s4 =	sld [smem:$0x3FFC];
	_ =	sdelay $0x3  }
0x95: {  	_ =	strace s4  }
0x96: {  	s4 =	sld [smem:$0x3FFD];
	_ =	sdelay $0x3  }
0x97: {  	_ =	strace s4  }
0x98: {  	_ =	strace $0x8FFFFFFF  }
0x99: {  	s19 =	sld [smem:$0x3FDB];
	_ =	sdelay $0x1  }
0x9a: {  	s5 =	simm.s32 $_scs_section_size  }
0x9b: {  	s6 =	simm.s32 $_size__tile_overlayer_lowered;
	s7 =	simm.s32 $_tile_overlayer_lowered  }
0x9c: {  	s22 =	simm.s32 $0x1BFF;
	s21 =	sshll.u32 s7, $0x1;
	s4 =	sadd.s32 s5, s19  }
0x9d: {  	s8 =	simm.s32 $0x0;
	s20 =	sshll.u32 s6, $0x1;
	s6 =	sadd.s32 s21, s4  }
0x9e: {  	[timem:s8], [sflag:s22] =	dma.local [hbm:s6], s20  }
0x9f: {  	_ =	swait.ge [sflag:s22], s20  }
0xa0: {  	s5 =	ssub.s32 $0x0, s20;
	[sflag:s22] =	ssyncset.done $0x0  }
0xa1: {  	[sflag:s22] =	ssyncadd.s32 s5;
	_ =	sdelay $0x1  }
0xa2: {  	s23 =	simm.s32 $0x1B8B  }
0xa3: {  	_ =	swait.ge [sflag:s23], $0x1  }
0xa4: {  	[sflag:s23] =	ssyncset.done $0x0  }
0xa5: {  	s25 =	simm.s32 $0x1B8E;
	s24 =	sld [smem:$0x3FFE];
	[sflag:s23] =	ssyncadd.s32 $0xFFFFFFFF  }
0xa6: {  	s26 =	simm.s32 $execute0_lowered;
	[smem:$0x3FD2] =	sst s25  }
0xa7: {  	s6 =	sshll.u32 s26, $0x1;
	_ =	strace $0x80000046;
	[dreg:$0x1] =	wrdreg $0xFFFFFFFF  }
0xa8: {  	s28 =	simm.s32 $_size_execute0_lowered;
	s4 =	sadd.s32 s4, s6;
	[dreg:$0x0] =	wrdreg $0x0  }
0xa9: {  	s6 =	sshll.u32 s28, $0x1;
	[dreg:$0x2] =	wrdreg s4  }
0xaa: {  	[dreg:$0x3] =	wrdreg s6  }
0xab: {  	[dreg:$0x4] =	wrdreg $0xC0  }
0xac: {  	_ =	task [dreg:s8], $0x5FFFF  }
0xad: {  	[dreg:$0x1] =	wrdreg $0xFFFFFFFF  }
0xae: {  	[dreg:$0x0] =	wrdreg $0x60  }
0xaf: {  	[dreg:$0x2] =	wrdreg s2  }
0xb0: {  	[dreg:$0x3] =	wrdreg s18  }
0xb1: {  	[dreg:$0x4] =	wrdreg s24  }
0xb2: {  	[dreg:$0x5] =	wrdreg $0xAC000  }
0xb3: {  	[dreg:$0x6] =	wrdreg $0x9  }
0xb4: {  	_ =	task.clear_ibuf [dreg:s8], $0x7FFFF;
	_ =	strace $0x90000046  }
0xb5: {  	s29 =	simm.s32 $0x9;
	_ =	strace $0x80000048  }
0xb6: {  	_ =	swait.ge [sflag:s29], $0x1  }
0xb7: {  	[sflag:s29] =	ssyncadd.s32 $0xFFFFFFFF  }
0xb8: {  	_ =	strace $0x90000048  }
0xb9: {  	_ =	sfence  }
0xba: {  	s30 =	sld [smem:$0x0];
	_ =	sdelay $0x2  }
0xbb: {  	s31 =	sshll.u32 s1, $0xD;
	s1 =	sshrl.u32 s1, $0x2  }
0xbc: {  	s3 =	sand.u32 $0x4000, s31;
	s1 =	sadd.s32 s1, s30  }
0xbd: {  	s0 =	sor.u32 s3, s0;
	s1 =	sshll.u32 s1, $0x11  }
0xbe: {  	s0 =	sor.u32 s1, s0  }
0xbf: {  	s0 =	sadd.s32 $0x8F2B, s0  }
0xc0: {  	[sflag:s0] =	ssyncadd.remote.s32 $0x1  }
0xc1: {  	_ =	sfence.sel $0xFFFF  }
0xc2: {  	[dreg:$0x0] =	wrdreg $0xFFFFFFFF;
	(pc) =	sbr.abs _section_cstart, $3  }
0xc3: {  	[dreg:$0x1] =	wrdreg $0xFFFFFFFF  }
0xc4: {  	_ =	task.clear_ibuf [dreg:s8], $0x2FFFF;
	_ =	strace $0x9FFFFFFF  }
0xc5: {  	(tm) =	ssettm $0x7FFFFFFF  }
tec
execute0_lowered:
.L_overlay_start_1:
0x0: {  	(tag) =	ssettag $0x1  }
0x1: {  	s0 =	rddreg [dreg:$0x0]  }
0x2: {  	s1 =	rddreg [dreg:$0x1]  }
0x3: {  	s2 =	rddreg [dreg:$0x2];
	s4 =	srdreg.scid  }
0x4: {  	s3 =	rddreg [dreg:$0x3];
	s8 =	stileid.u32  }
0x5: {  	s7 =	simm.s32 $0x0;
	s17 =	simm.s32 $0x2C00;
	s18 =	simm.s32 $0x5  }
0x6: {  	s28 =	simm.s32 $0x3;
	s29 =	simm.s32 $0x4;
	s30 =	simm.s32 $0x2B80  }
0x7: {  	s31 =	simm.s32 $0x0;
	s4 =	sand.u32 $0x1, s4;
	s6 =	smul.u32 $0x14000, s8  }
0x8: {  	[smem:$0x7FF] =	sst s7;
	s19 =	smul.u32 $0x50000, s8;
	s10 =	sadd.s32 $0x1000, s2  }
0x9: {  	s5 =	smul.u32 $0x140000, s4;
	_ =	strace $0x80000047;
	s21 =	sshll.u32 s4, $0x4  }
0xa: {  	s4 =	ssub.s32 $0x2, s4;
	s8 =	sor.u32 s8, s21;
	s22 =	sshrl.u32 s19, $0x2  }
0xb: {  	s23 =	sshrl.u32 s4, $0x1;
	s19 =	simm.s32 $0x1800;
	s21 =	simm.s32 $0x4C00  }
0xc: {  	s5 =	sadd.s32 s6, s5;
	s9 =	smul.u32 $0x2800, s8;
	s4 =	ssub.s32 s4, s23  }
0xd: {  	s11 =	smul.u32 $0x500, s8;
	s23 =	simm.s32 $0x8C00;
	s20 =	sshrl.u32 s5, $0x3  }
0xe: {  	s5 =	sadd.s32 s22, s3;
	s16 =	smax.u32 s4, $0x1;
	s22 =	simm.s32 $0x6C00  }
0xf: {  	s2 =	sadd.s32 s20, s2;
	s6 =	sadd.s32 $0x4000, s5;
	s7 =	sadd.s32 $0x8000, s5  }
0x10: {  	s12 =	sshrl.u32 s9, $0x3;
	s8 =	sadd.s32 $0xC000, s5;
	s9 =	sadd.s32 $0x10000, s5  }
0x11: {  	s24 =	sadd.s32 s1, s11;
	s11 =	sadd.s32 s10, s11;
	s20 =	simm.s32 $0x40  }
0x12: {  	s13 =	sadd.s32 $0x280, s12;
	[dreg:$0x5] =	wrdreg s24;
	s26 =	sadd.s32 $0xB000, s2  }
0x13: {  	s15 =	sadd.s32 $0x5B000, s2;
	s1 =	sadd.s32 s1, s13;
	[dreg:$0x8] =	wrdreg s26  }
0x14: {  	s24 =	simm.s32 $0x1;
	s25 =	sadd.s32 s10, s13;
	[dreg:$0x6] =	wrdreg s1  }
0x15: {  	v0 =	vimm.f32 $0.0e+00;
	v1 =	vimm.f32 $1.000000000e+00;
	s26 =	simm.s32 $0x80;
	[dreg:$0x7] =	wrdreg s25;
	s25 =	simm.s32 $0x2  }
.LBB2_1:
0x16: {  	s1 =	simm.s32 $0x0;
	s2 =	simm.s32 $0x200  }
.LBB2_2:
0x17: {  	p0 =	sne.s32 s2, $0xFE00;
	[tilespmem:s1+$0x2C70] =	vst v0  }
0x18: {  	[tilespmem:s1+$0x2C00] =	vst v0  }
0x19: {  	[tilespmem:s1+$0x2C10] =	vst v0  }
.Ltmp0:
0x1a: {  	[tilespmem:s1+$0x2C20] =	vst v0;
	(pc) =	sbr.rel @p0 .LBB2_2-.Ltmp0, $4  }
0x1b: {  	[tilespmem:s1+$0x2C30] =	vst v0  }
0x1c: {  	[tilespmem:s1+$0x2C40] =	vst v0  }
0x1d: {  	[tilespmem:s1+$0x2C50] =	vst v0  }
0x1e: {  	[tilespmem:s1+$0x2C60] =	vst v0;
	s1 =	sshra.s32 s2, $0x2;
	s2 =	sadd.s32 $0x200, s2  }
0x1f: {  	[tilespmem:s1+$0x2C70] =	vst v0  }
0x20: {  	[tilespmem:s1+$0x2C00] =	vst v0  }
0x21: {  	[tilespmem:s1+$0x2C10] =	vst v0  }
0x22: {  	[tilespmem:s1+$0x2C20] =	vst v0  }
0x23: {  	[tilespmem:s1+$0x2C30] =	vst v0  }
0x24: {  	[tilespmem:s1+$0x2C40] =	vst v0  }
0x25: {  	[tilespmem:s1+$0x2C50] =	vst v0  }
0x26: {  	[tilespmem:s1+$0x2C60] =	vst v0  }
0x27: {  	[spmem:s5] =	stream.linear.scatter [tilespmem:s17], [sflag:$0x5], $0x4000, $0x38;
	[tilespmem:$0x1EC00] =	vst v63  }
0x28: {  	_ =	swait.ge [sflag:s18], $0x4000  }
0x29: {  	[sflag:s18] =	ssyncset.done $0x0  }
0x2a: {  	[sflag:s18] =	ssyncadd.s32 $0xFFFFC000  }
0x2b: {  	[spmem:s6] =	stream.linear.scatter [tilespmem:s17], [sflag:$0x5], $0x4000, $0x38;
	[tilespmem:$0x1EC00] =	vst v63  }
0x2c: {  	_ =	swait.ge [sflag:s18], $0x4000  }
0x2d: {  	[sflag:s18] =	ssyncset.done $0x0  }
0x2e: {  	[sflag:s18] =	ssyncadd.s32 $0xFFFFC000  }
0x2f: {  	[spmem:s7] =	stream.linear.scatter [tilespmem:s17], [sflag:$0x5], $0x4000, $0x38;
	[tilespmem:$0x1EC00] =	vst v63  }
0x30: {  	_ =	swait.ge [sflag:s18], $0x4000  }
0x31: {  	[sflag:s18] =	ssyncset.done $0x0  }
0x32: {  	[sflag:s18] =	ssyncadd.s32 $0xFFFFC000  }
0x33: {  	[spmem:s8] =	stream.linear.scatter [tilespmem:s17], [sflag:$0x5], $0x4000, $0x38;
	[tilespmem:$0x1EC00] =	vst v63  }
0x34: {  	_ =	swait.ge [sflag:s18], $0x4000  }
0x35: {  	[sflag:s18] =	ssyncset.done $0x0  }
0x36: {  	[sflag:s18] =	ssyncadd.s32 $0xFFFFC000  }
0x37: {  	[spmem:s9] =	stream.linear.scatter [tilespmem:s17], [sflag:$0x5], $0x4000, $0x38;
	[tilespmem:$0x1EC00] =	vst v63  }
0x38: {  	_ =	swait.ge [sflag:s18], $0x4000  }
0x39: {  	[sflag:s18] =	ssyncset.done $0x0  }
0x3a: {  	[sflag:s18] =	ssyncadd.s32 $0xFFFFC000  }
0x3b: {  	[bflag:$0x0] =	sbarrier.arrive $0xFFFF  }
0x3c: {  	s14 =	simm.s32 $0x0;
	s2 =	rddreg [dreg:$0x5]  }
0x3d: {  	[tilespmem:s14], [sflag:$0x5] =	stream.linear.gather [hbm4b:s2+s14], $0x1800, $0x38;
	[tilespmem:$0x1EC00] =	vst v63  }
0x3e: {  	_ =	swait.ge [sflag:s18], $0x1800  }
0x3f: {  	[sflag:s18] =	ssyncset.done $0x0  }
0x40: {  	[sflag:s18] =	ssyncadd.s32 $0xFFFFE800  }
0x41: {  	[tilespmem:s19], [sflag:$0x5] =	stream.linear.gather [hbm4b:s11+s14], $0x1400, $0x38;
	[tilespmem:$0x1EC00] =	vst v63  }
0x42: {  	_ =	swait.ge [sflag:s18], $0x1400  }
0x43: {  	[sflag:s18] =	ssyncset.done $0x0  }
0x44: {  	[sflag:s18] =	ssyncadd.s32 $0xFFFFEC00  }
0x45: {  	[tilespmem:s17], [sflag:$0x1] =	stream.indirect.gather [hbm4b:s0+s20], $0x80, s14, s20, $0xb8;
	[tilespmem:$0x1EC00] =	vst v63  }
0x46: {  	_ = 	snop  }
0x47: {  	[tilespmem:s21], [sflag:$0x2] =	stream.indirect.gather [hbm4b:s0+s20], $0x80, s20, s20, $0xb8;
	[tilespmem:$0x1EC00] =	vst v63  }
0x48: {  	s2 =	simm.s32 $0x80  }
0x49: {  	[tilespmem:s22], [sflag:$0x3] =	stream.indirect.gather [hbm4b:s0+s20], $0x80, s2, s20, $0xb8;
	[tilespmem:$0x1EC00] =	vst v63  }
0x4a: {  	s4 =	simm.s32 $0xC0  }
0x4b: {  	[tilespmem:s23], [sflag:$0x4] =	stream.indirect.gather [hbm4b:s0+s20], $0x80, s4, s20, $0xb8;
	[tilespmem:$0x1EC00] =	vst v63  }
0x4c: {  	_ =	swait.ge [sflag:s24], $0x2000  }
0x4d: {  	[sflag:s24] =	ssyncset.done $0x0  }
0x4e: {  	[sflag:s24] =	ssyncadd.s32 $0xFFFFE000  }
0x4f: {  	_ =	swait.ge [sflag:s25], $0x2000  }
0x50: {  	[sflag:s25] =	ssyncset.done $0x0  }
0x51: {  	s10 =	simm.s32 $0x1800;
	[sflag:s25] =	ssyncadd.s32 $0xFFFFE000  }
0x52: {  	[spmem:s3] =	stream.indirect.scatter.add.f32 [tilespmem:s17], [sflag:$0x5], $0x80, s10, s26, $0xb8;
	[tilespmem:$0x1EC00] =	vst v63  }
0x53: {  	_ =	swait.ge [sflag:s18], $0x4000  }
0x54: {  	[sflag:s18] =	ssyncset.done $0x0  }
0x55: {  	s12 =	simm.s32 $0x100;
	[sflag:s18] =	ssyncadd.s32 $0xFFFFC000  }
0x56: {  	[tilespmem:s17], [sflag:$0x1] =	stream.indirect.gather [hbm4b:s0+s20], $0x80, s12, s20, $0xb8;
	[tilespmem:$0x1EC00] =	vst v63  }
0x57: {  	s13 =	simm.s32 $0x140  }
0x58: {  	[tilespmem:s21], [sflag:$0x2] =	stream.indirect.gather [hbm4b:s0+s20], $0x80, s13, s20, $0xb8;
	[tilespmem:$0x1EC00] =	vst v63  }
0x59: {  	_ =	swait.ge [sflag:s28], $0x2000  }
0x5a: {  	[sflag:s28] =	ssyncset.done $0x0  }
0x5b: {  	[sflag:s28] =	ssyncadd.s32 $0xFFFFE000  }
0x5c: {  	_ =	swait.ge [sflag:s29], $0x2000  }
0x5d: {  	[sflag:s29] =	ssyncset.done $0x0  }
0x5e: {  	s14 =	simm.s32 $0x1880;
	[sflag:s29] =	ssyncadd.s32 $0xFFFFE000  }
0x5f: {  	[spmem:s3] =	stream.indirect.scatter.add.f32 [tilespmem:s22], [sflag:$0x5], $0x80, s14, s26, $0xb8;
	[tilespmem:$0x1EC00] =	vst v63  }
0x60: {  	_ =	swait.ge [sflag:s18], $0x4000  }
0x61: {  	s1 =	simm.s32 $0x100;
	s2 =	simm.s32 $0x800;
	[sflag:s18] =	ssyncset.done $0x0  }
.LBB2_4:
0x62: {  	s4 =	sadd.s32 $0x80, s1  }
0x63: {  	[sflag:s18] =	ssyncadd.s32 $0xFFFFC000;
	s10 =	smov.u32 s2;
	s12 =	sadd.s32 $0x400, s2  }
0x64: {  	[tilespmem:s22], [sflag:$0x3] =	stream.indirect.gather [hbm4b:s0+s20], $0x80, s4, s20, $0xb8;
	[tilespmem:$0x1EC00] =	vst v63  }
0x65: {  	p0 =	sne.s32 s2, $0x4C00;
	s2 =	sadd.s32 $0xC0, s1  }
0x66: {  	[tilespmem:s23], [sflag:$0x4] =	stream.indirect.gather [hbm4b:s0+s20], $0x80, s2, s20, $0xb8;
	[tilespmem:$0x1EC00] =	vst v63  }
0x67: {  	_ =	swait.ge [sflag:s24], $0x2000  }
0x68: {  	[sflag:s24] =	ssyncset.done $0x0  }
0x69: {  	[sflag:s24] =	ssyncadd.s32 $0xFFFFE000  }
0x6a: {  	_ =	swait.ge [sflag:s25], $0x2000  }
0x6b: {  	[sflag:s25] =	ssyncset.done $0x0  }
0x6c: {  	s2 =	sadd.s32 $0x1800, s1;
	[sflag:s25] =	ssyncadd.s32 $0xFFFFE000  }
0x6d: {  	[spmem:s3] =	stream.indirect.scatter.add.f32 [tilespmem:s17], [sflag:$0x5], $0x80, s2, s26, $0xb8;
	[tilespmem:$0x1EC00] =	vst v63  }
0x6e: {  	_ =	swait.ge [sflag:s18], $0x4000  }
0x6f: {  	[sflag:s18] =	ssyncset.done $0x0  }
0x70: {  	s2 =	sadd.s32 $0x100, s1;
	[sflag:s18] =	ssyncadd.s32 $0xFFFFC000  }
0x71: {  	[tilespmem:s17], [sflag:$0x1] =	stream.indirect.gather [hbm4b:s0+s20], $0x80, s2, s20, $0xb8;
	[tilespmem:$0x1EC00] =	vst v63  }
0x72: {  	s2 =	sadd.s32 $0x140, s1  }
0x73: {  	[tilespmem:s21], [sflag:$0x2] =	stream.indirect.gather [hbm4b:s0+s20], $0x80, s2, s20, $0xb8;
	[tilespmem:$0x1EC00] =	vst v63  }
0x74: {  	_ =	swait.ge [sflag:s28], $0x2000  }
0x75: {  	[sflag:s28] =	ssyncset.done $0x0  }
0x76: {  	[sflag:s28] =	ssyncadd.s32 $0xFFFFE000  }
0x77: {  	_ =	swait.ge [sflag:s29], $0x2000  }
.Ltmp1:
0x78: {  	[sflag:s29] =	ssyncset.done $0x0;
	(pc) =	sbr.rel @p0 .LBB2_4-.Ltmp1, $4  }
0x79: {  	s1 =	sadd.s32 $0x1880, s1;
	[sflag:s29] =	ssyncadd.s32 $0xFFFFE000  }
0x7a: {  	[spmem:s3] =	stream.indirect.scatter.add.f32 [tilespmem:s22], [sflag:$0x5], $0x80, s1, s26, $0xb8;
	[tilespmem:$0x1EC00] =	vst v63  }
0x7b: {  	_ =	swait.ge [sflag:s18], $0x4000  }
0x7c: {  	s2 =	smov.u32 s12;
	s1 =	sshra.s32 s10, $0x2;
	[sflag:s18] =	ssyncset.done $0x0  }
0x7d: {  	s2 =	sadd.s32 $0x80, s1;
	[sflag:s18] =	ssyncadd.s32 $0xFFFFC000  }
0x7e: {  	[tilespmem:s22], [sflag:$0x3] =	stream.indirect.gather [hbm4b:s0+s20], $0x80, s2, s20, $0xb8;
	[tilespmem:$0x1EC00] =	vst v63  }
0x7f: {  	s12 =	sadd.s32 $0xC0, s1  }
0x80: {  	[tilespmem:s23], [sflag:$0x4] =	stream.indirect.gather [hbm4b:s0+s20], $0x80, s12, s20, $0xb8;
	[tilespmem:$0x1EC00] =	vst v63  }
0x81: {  	_ =	swait.ge [sflag:s24], $0x2000  }
0x82: {  	[sflag:s24] =	ssyncset.done $0x0  }
0x83: {  	[sflag:s24] =	ssyncadd.s32 $0xFFFFE000  }
0x84: {  	_ =	swait.ge [sflag:s25], $0x2000  }
0x85: {  	[sflag:s25] =	ssyncset.done $0x0  }
0x86: {  	s13 =	sadd.s32 $0x1800, s1;
	[sflag:s25] =	ssyncadd.s32 $0xFFFFE000  }
0x87: {  	[spmem:s3] =	stream.indirect.scatter.add.f32 [tilespmem:s17], [sflag:$0x5], $0x80, s13, s26, $0xb8;
	[tilespmem:$0x1EC00] =	vst v63  }
0x88: {  	_ =	swait.ge [sflag:s18], $0x4000  }
0x89: {  	[sflag:s18] =	ssyncset.done $0x0  }
0x8a: {  	s14 =	sadd.s32 $0x100, s1;
	[sflag:s18] =	ssyncadd.s32 $0xFFFFC000  }
0x8b: {  	[tilespmem:s17], [sflag:$0x1] =	stream.indirect.gather [hbm4b:s0+s20], $0x80, s14, s20, $0xb8;
	[tilespmem:$0x1EC00] =	vst v63  }
0x8c: {  	s4 =	sadd.s32 $0x140, s1  }
0x8d: {  	[tilespmem:s21], [sflag:$0x2] =	stream.indirect.gather [hbm4b:s0+s20], $0x80, s4, s20, $0xb8;
	[tilespmem:$0x1EC00] =	vst v63  }
0x8e: {  	_ =	swait.ge [sflag:s28], $0x2000  }
0x8f: {  	[sflag:s28] =	ssyncset.done $0x0  }
0x90: {  	[sflag:s28] =	ssyncadd.s32 $0xFFFFE000  }
0x91: {  	_ =	swait.ge [sflag:s29], $0x2000  }
0x92: {  	[sflag:s29] =	ssyncset.done $0x0  }
0x93: {  	s10 =	sadd.s32 $0x1880, s1;
	[sflag:s29] =	ssyncadd.s32 $0xFFFFE000  }
0x94: {  	[spmem:s3] =	stream.indirect.scatter.add.f32 [tilespmem:s22], [sflag:$0x5], $0x80, s10, s26, $0xb8;
	[tilespmem:$0x1EC00] =	vst v63  }
0x95: {  	_ =	swait.ge [sflag:s18], $0x4000  }
0x96: {  	[sflag:s18] =	ssyncset.done $0x0  }
0x97: {  	[sflag:s18] =	ssyncadd.s32 $0xFFFFC000  }
0x98: {  	_ =	swait.ge [sflag:s24], $0x2000  }
0x99: {  	[sflag:s24] =	ssyncset.done $0x0  }
0x9a: {  	[sflag:s24] =	ssyncadd.s32 $0xFFFFE000  }
0x9b: {  	_ =	swait.ge [sflag:s25], $0x2000  }
0x9c: {  	[sflag:s25] =	ssyncset.done $0x0  }
0x9d: {  	s12 =	simm.s32 $0x0;
	s13 =	rddreg [dreg:$0x6];
	[sflag:s25] =	ssyncadd.s32 $0xFFFFE000  }
0x9e: {  	[tilespmem:s12], [sflag:$0x5] =	stream.linear.gather [hbm4b:s13+s12], $0x1800, $0x38;
	[tilespmem:$0x1EC00] =	vst v63  }
0x9f: {  	_ =	swait.ge [sflag:s18], $0x1800  }
0xa0: {  	[sflag:s18] =	ssyncset.done $0x0  }
0xa1: {  	s14 =	rddreg [dreg:$0x7];
	[sflag:s18] =	ssyncadd.s32 $0xFFFFE800  }
0xa2: {  	[tilespmem:s19], [sflag:$0x5] =	stream.linear.gather [hbm4b:s14+s12], $0x1400, $0x38;
	[tilespmem:$0x1EC00] =	vst v63  }
0xa3: {  	_ =	swait.ge [sflag:s18], $0x1400  }
0xa4: {  	[sflag:s18] =	ssyncset.done $0x0  }
0xa5: {  	[sflag:s18] =	ssyncadd.s32 $0xFFFFEC00  }
0xa6: {  	[tilespmem:s17], [sflag:$0x1] =	stream.indirect.gather [hbm4b:s0+s20], $0x80, s12, s20, $0xb8;
	[tilespmem:$0x1EC00] =	vst v63  }
0xa7: {  	_ = 	snop  }
0xa8: {  	[tilespmem:s21], [sflag:$0x2] =	stream.indirect.gather [hbm4b:s0+s20], $0x80, s20, s20, $0xb8;
	[tilespmem:$0x1EC00] =	vst v63  }
0xa9: {  	s2 =	simm.s32 $0x80  }
0xaa: {  	[tilespmem:s22], [sflag:$0x3] =	stream.indirect.gather [hbm4b:s0+s20], $0x80, s2, s20, $0xb8;
	[tilespmem:$0x1EC00] =	vst v63  }
0xab: {  	s4 =	simm.s32 $0xC0  }
0xac: {  	[tilespmem:s23], [sflag:$0x4] =	stream.indirect.gather [hbm4b:s0+s20], $0x80, s4, s20, $0xb8;
	[tilespmem:$0x1EC00] =	vst v63  }
0xad: {  	_ =	swait.ge [sflag:s24], $0x2000  }
0xae: {  	[sflag:s24] =	ssyncset.done $0x0  }
0xaf: {  	[sflag:s24] =	ssyncadd.s32 $0xFFFFE000  }
0xb0: {  	_ =	swait.ge [sflag:s25], $0x2000  }
0xb1: {  	[sflag:s25] =	ssyncset.done $0x0  }
0xb2: {  	s10 =	simm.s32 $0x1800;
	[sflag:s25] =	ssyncadd.s32 $0xFFFFE000  }
0xb3: {  	[spmem:s3] =	stream.indirect.scatter.add.f32 [tilespmem:s17], [sflag:$0x5], $0x80, s10, s26, $0xb8;
	[tilespmem:$0x1EC00] =	vst v63  }
0xb4: {  	_ =	swait.ge [sflag:s18], $0x4000  }
0xb5: {  	[sflag:s18] =	ssyncset.done $0x0  }
0xb6: {  	s12 =	simm.s32 $0x100;
	[sflag:s18] =	ssyncadd.s32 $0xFFFFC000  }
0xb7: {  	[tilespmem:s17], [sflag:$0x1] =	stream.indirect.gather [hbm4b:s0+s20], $0x80, s12, s20, $0xb8;
	[tilespmem:$0x1EC00] =	vst v63  }
0xb8: {  	s13 =	simm.s32 $0x140  }
0xb9: {  	[tilespmem:s21], [sflag:$0x2] =	stream.indirect.gather [hbm4b:s0+s20], $0x80, s13, s20, $0xb8;
	[tilespmem:$0x1EC00] =	vst v63  }
0xba: {  	_ =	swait.ge [sflag:s28], $0x2000  }
0xbb: {  	[sflag:s28] =	ssyncset.done $0x0  }
0xbc: {  	[sflag:s28] =	ssyncadd.s32 $0xFFFFE000  }
0xbd: {  	_ =	swait.ge [sflag:s29], $0x2000  }
0xbe: {  	[sflag:s29] =	ssyncset.done $0x0  }
0xbf: {  	s14 =	simm.s32 $0x1880;
	[sflag:s29] =	ssyncadd.s32 $0xFFFFE000  }
0xc0: {  	[spmem:s3] =	stream.indirect.scatter.add.f32 [tilespmem:s22], [sflag:$0x5], $0x80, s14, s26, $0xb8;
	[tilespmem:$0x1EC00] =	vst v63  }
0xc1: {  	_ =	swait.ge [sflag:s18], $0x4000  }
0xc2: {  	s1 =	simm.s32 $0x100;
	s2 =	simm.s32 $0x800;
	[sflag:s18] =	ssyncset.done $0x0  }
.LBB2_6:
0xc3: {  	s4 =	sadd.s32 $0x80, s1  }
0xc4: {  	[sflag:s18] =	ssyncadd.s32 $0xFFFFC000;
	s10 =	smov.u32 s2;
	s12 =	sadd.s32 $0x400, s2  }
0xc5: {  	[tilespmem:s22], [sflag:$0x3] =	stream.indirect.gather [hbm4b:s0+s20], $0x80, s4, s20, $0xb8;
	[tilespmem:$0x1EC00] =	vst v63  }
0xc6: {  	p0 =	sne.s32 s2, $0x4C00;
	s2 =	sadd.s32 $0xC0, s1  }
0xc7: {  	[tilespmem:s23], [sflag:$0x4] =	stream.indirect.gather [hbm4b:s0+s20], $0x80, s2, s20, $0xb8;
	[tilespmem:$0x1EC00] =	vst v63  }
0xc8: {  	_ =	swait.ge [sflag:s24], $0x2000  }
0xc9: {  	[sflag:s24] =	ssyncset.done $0x0  }
0xca: {  	[sflag:s24] =	ssyncadd.s32 $0xFFFFE000  }
0xcb: {  	_ =	swait.ge [sflag:s25], $0x2000  }
0xcc: {  	[sflag:s25] =	ssyncset.done $0x0  }
0xcd: {  	s2 =	sadd.s32 $0x1800, s1;
	[sflag:s25] =	ssyncadd.s32 $0xFFFFE000  }
0xce: {  	[spmem:s3] =	stream.indirect.scatter.add.f32 [tilespmem:s17], [sflag:$0x5], $0x80, s2, s26, $0xb8;
	[tilespmem:$0x1EC00] =	vst v63  }
0xcf: {  	_ =	swait.ge [sflag:s18], $0x4000  }
0xd0: {  	[sflag:s18] =	ssyncset.done $0x0  }
0xd1: {  	s2 =	sadd.s32 $0x100, s1;
	[sflag:s18] =	ssyncadd.s32 $0xFFFFC000  }
0xd2: {  	[tilespmem:s17], [sflag:$0x1] =	stream.indirect.gather [hbm4b:s0+s20], $0x80, s2, s20, $0xb8;
	[tilespmem:$0x1EC00] =	vst v63  }
0xd3: {  	s2 =	sadd.s32 $0x140, s1  }
0xd4: {  	[tilespmem:s21], [sflag:$0x2] =	stream.indirect.gather [hbm4b:s0+s20], $0x80, s2, s20, $0xb8;
	[tilespmem:$0x1EC00] =	vst v63  }
0xd5: {  	_ =	swait.ge [sflag:s28], $0x2000  }
0xd6: {  	[sflag:s28] =	ssyncset.done $0x0  }
0xd7: {  	[sflag:s28] =	ssyncadd.s32 $0xFFFFE000  }
0xd8: {  	_ =	swait.ge [sflag:s29], $0x2000  }
.Ltmp2:
0xd9: {  	[sflag:s29] =	ssyncset.done $0x0;
	(pc) =	sbr.rel @p0 .LBB2_6-.Ltmp2, $4  }
0xda: {  	s1 =	sadd.s32 $0x1880, s1;
	[sflag:s29] =	ssyncadd.s32 $0xFFFFE000  }
0xdb: {  	[spmem:s3] =	stream.indirect.scatter.add.f32 [tilespmem:s22], [sflag:$0x5], $0x80, s1, s26, $0xb8;
	[tilespmem:$0x1EC00] =	vst v63  }
0xdc: {  	_ =	swait.ge [sflag:s18], $0x4000  }
0xdd: {  	s2 =	smov.u32 s12;
	s1 =	sshra.s32 s10, $0x2;
	[sflag:s18] =	ssyncset.done $0x0  }
0xde: {  	s2 =	sadd.s32 $0x80, s1;
	[sflag:s18] =	ssyncadd.s32 $0xFFFFC000  }
0xdf: {  	[tilespmem:s22], [sflag:$0x3] =	stream.indirect.gather [hbm4b:s0+s20], $0x80, s2, s20, $0xb8;
	[tilespmem:$0x1EC00] =	vst v63  }
0xe0: {  	s13 =	sadd.s32 $0xC0, s1  }
0xe1: {  	[tilespmem:s23], [sflag:$0x4] =	stream.indirect.gather [hbm4b:s0+s20], $0x80, s13, s20, $0xb8;
	[tilespmem:$0x1EC00] =	vst v63  }
0xe2: {  	_ =	swait.ge [sflag:s24], $0x2000  }
0xe3: {  	[sflag:s24] =	ssyncset.done $0x0  }
0xe4: {  	[sflag:s24] =	ssyncadd.s32 $0xFFFFE000  }
0xe5: {  	_ =	swait.ge [sflag:s25], $0x2000  }
0xe6: {  	[sflag:s25] =	ssyncset.done $0x0  }
0xe7: {  	s14 =	sadd.s32 $0x1800, s1;
	[sflag:s25] =	ssyncadd.s32 $0xFFFFE000  }
0xe8: {  	[spmem:s3] =	stream.indirect.scatter.add.f32 [tilespmem:s17], [sflag:$0x5], $0x80, s14, s26, $0xb8;
	[tilespmem:$0x1EC00] =	vst v63  }
0xe9: {  	_ =	swait.ge [sflag:s18], $0x4000  }
0xea: {  	[sflag:s18] =	ssyncset.done $0x0  }
0xeb: {  	s4 =	sadd.s32 $0x100, s1;
	[sflag:s18] =	ssyncadd.s32 $0xFFFFC000  }
0xec: {  	[tilespmem:s17], [sflag:$0x1] =	stream.indirect.gather [hbm4b:s0+s20], $0x80, s4, s20, $0xb8;
	[tilespmem:$0x1EC00] =	vst v63  }
0xed: {  	s10 =	sadd.s32 $0x140, s1  }
0xee: {  	[tilespmem:s21], [sflag:$0x2] =	stream.indirect.gather [hbm4b:s0+s20], $0x80, s10, s20, $0xb8;
	[tilespmem:$0x1EC00] =	vst v63  }
0xef: {  	_ =	swait.ge [sflag:s28], $0x2000  }
0xf0: {  	[sflag:s28] =	ssyncset.done $0x0  }
0xf1: {  	[sflag:s28] =	ssyncadd.s32 $0xFFFFE000  }
0xf2: {  	_ =	swait.ge [sflag:s29], $0x2000  }
0xf3: {  	[sflag:s29] =	ssyncset.done $0x0  }
0xf4: {  	s12 =	sadd.s32 $0x1880, s1;
	[sflag:s29] =	ssyncadd.s32 $0xFFFFE000  }
0xf5: {  	[spmem:s3] =	stream.indirect.scatter.add.f32 [tilespmem:s22], [sflag:$0x5], $0x80, s12, s26, $0xb8;
	[tilespmem:$0x1EC00] =	vst v63  }
0xf6: {  	_ =	swait.ge [sflag:s18], $0x4000  }
0xf7: {  	[sflag:s18] =	ssyncset.done $0x0  }
0xf8: {  	[sflag:s18] =	ssyncadd.s32 $0xFFFFC000  }
0xf9: {  	_ =	swait.ge [sflag:s24], $0x2000  }
0xfa: {  	[sflag:s24] =	ssyncset.done $0x0  }
0xfb: {  	[sflag:s24] =	ssyncadd.s32 $0xFFFFE000  }
0xfc: {  	_ =	swait.ge [sflag:s25], $0x2000  }
0xfd: {  	[sflag:s25] =	ssyncset.done $0x0  }
0xfe: {  	s13 =	stileid.u32;
	[sflag:s25] =	ssyncadd.s32 $0xFFFFE000  }
0xff: {  	s1 =	sshll.u32 s13, $0x6;
	[bflag:$0x0] =	sbarrier.arrive $0xFFFF  }
0x100: {  	s1 =	sor.u32 $0x1C05, s1;
	s4 =	sshrl.u32 s5, $0x3;
	s14 =	rddreg [dreg:$0x8]  }
0x101: {  	[hbm:s14], [sflag:s1] =	dma.local [spmem:s4], $0x2800  }
0x102: {  	_ =	swait.ge [sflag:s18], $0x2800  }
0x103: {  	[sflag:s18] =	ssyncset.done $0x0  }
0x104: {  	s2 =	simm.s32 $0x0;
	s10 =	simm.s32 $0x200;
	[sflag:s18] =	ssyncadd.s32 $0xFFFFD800  }
.LBB2_8:
0x105: {  	p0 =	sne.s32 s10, $0xFE00;
	[tilespmem:s2+$0x6C70] =	vst v0  }
0x106: {  	[tilespmem:s2+$0x6C00] =	vst v0  }
0x107: {  	[tilespmem:s2+$0x6C10] =	vst v0  }
.Ltmp3:
0x108: {  	[tilespmem:s2+$0x6C20] =	vst v0;
	(pc) =	sbr.rel @p0 .LBB2_8-.Ltmp3, $4  }
0x109: {  	[tilespmem:s2+$0x6C30] =	vst v0  }
0x10a: {  	[tilespmem:s2+$0x6C40] =	vst v0  }
0x10b: {  	[tilespmem:s2+$0x6C50] =	vst v0  }
0x10c: {  	[tilespmem:s2+$0x6C60] =	vst v0;
	s2 =	sshra.s32 s10, $0x2;
	s10 =	sadd.s32 $0x200, s10  }
0x10d: {  	[tilespmem:s2+$0x6C70] =	vst v0  }
0x10e: {  	[tilespmem:s2+$0x6C00] =	vst v0  }
0x10f: {  	[tilespmem:s2+$0x6C10] =	vst v0  }
0x110: {  	[tilespmem:s2+$0x6C20] =	vst v0  }
0x111: {  	[tilespmem:s2+$0x6C30] =	vst v0  }
0x112: {  	[tilespmem:s2+$0x6C40] =	vst v0  }
0x113: {  	[tilespmem:s2+$0x6C50] =	vst v0  }
0x114: {  	[tilespmem:s2+$0x6C60] =	vst v0  }
0x115: {  	[spmem:s5] =	stream.linear.scatter [tilespmem:s22], [sflag:$0x5], $0x4000, $0x38;
	[tilespmem:$0x1EC00] =	vst v63  }
0x116: {  	_ =	swait.ge [sflag:s18], $0x4000  }
0x117: {  	[sflag:s18] =	ssyncset.done $0x0  }
0x118: {  	[sflag:s18] =	ssyncadd.s32 $0xFFFFC000  }
0x119: {  	[spmem:s6] =	stream.linear.scatter [tilespmem:s22], [sflag:$0x5], $0x4000, $0x38;
	[tilespmem:$0x1EC00] =	vst v63  }
0x11a: {  	_ =	swait.ge [sflag:s18], $0x4000  }
0x11b: {  	[sflag:s18] =	ssyncset.done $0x0  }
0x11c: {  	[sflag:s18] =	ssyncadd.s32 $0xFFFFC000  }
0x11d: {  	[spmem:s7] =	stream.linear.scatter [tilespmem:s22], [sflag:$0x5], $0x4000, $0x38;
	[tilespmem:$0x1EC00] =	vst v63  }
0x11e: {  	_ =	swait.ge [sflag:s18], $0x4000  }
0x11f: {  	[sflag:s18] =	ssyncset.done $0x0  }
0x120: {  	[sflag:s18] =	ssyncadd.s32 $0xFFFFC000  }
0x121: {  	[spmem:s8] =	stream.linear.scatter [tilespmem:s22], [sflag:$0x5], $0x4000, $0x38;
	[tilespmem:$0x1EC00] =	vst v63  }
0x122: {  	_ =	swait.ge [sflag:s18], $0x4000  }
0x123: {  	[sflag:s18] =	ssyncset.done $0x0  }
0x124: {  	[sflag:s18] =	ssyncadd.s32 $0xFFFFC000  }
0x125: {  	[spmem:s9] =	stream.linear.scatter [tilespmem:s22], [sflag:$0x5], $0x4000, $0x38;
	[tilespmem:$0x1EC00] =	vst v63  }
0x126: {  	_ =	swait.ge [sflag:s18], $0x4000  }
0x127: {  	[sflag:s18] =	ssyncset.done $0x0  }
0x128: {  	s2 =	simm.s32 $0x0;
	s10 =	simm.s32 $0x200;
	[sflag:s18] =	ssyncadd.s32 $0xFFFFC000  }
.LBB2_10:
0x129: {  	p0 =	sne.s32 s10, $0xFE00;
	[tilespmem:s2+$0x2C70] =	vst v1  }
0x12a: {  	[tilespmem:s2+$0x2C00] =	vst v1  }
0x12b: {  	[tilespmem:s2+$0x2C10] =	vst v1  }
.Ltmp4:
0x12c: {  	[tilespmem:s2+$0x2C20] =	vst v1;
	(pc) =	sbr.rel @p0 .LBB2_10-.Ltmp4, $4  }
0x12d: {  	[tilespmem:s2+$0x2C30] =	vst v1  }
0x12e: {  	[tilespmem:s2+$0x2C40] =	vst v1  }
0x12f: {  	[tilespmem:s2+$0x2C50] =	vst v1  }
0x130: {  	[tilespmem:s2+$0x2C60] =	vst v1;
	s2 =	sshra.s32 s10, $0x2;
	s10 =	sadd.s32 $0x200, s10  }
0x131: {  	[tilespmem:s2+$0x2C70] =	vst v1  }
0x132: {  	[tilespmem:s2+$0x2C00] =	vst v1  }
0x133: {  	[tilespmem:s2+$0x2C10] =	vst v1  }
0x134: {  	[tilespmem:s2+$0x2C20] =	vst v1  }
0x135: {  	[tilespmem:s2+$0x2C30] =	vst v1  }
0x136: {  	[tilespmem:s2+$0x2C40] =	vst v1  }
0x137: {  	[tilespmem:s2+$0x2C50] =	vst v1  }
0x138: {  	[tilespmem:s2+$0x2C60] =	vst v1  }
0x139: {  	[bflag:$0x0] =	sbarrier.arrive $0xFFFF  }
0x13a: {  	[spmem:s3] =	stream.indirect.scatter.add.f32 [tilespmem:s17], [sflag:$0x1], $0x80, s19, s26, $0xb8;
	[tilespmem:$0x1EC00] =	vst v63  }
0x13b: {  	s13 =	simm.s32 $0x1880  }
0x13c: {  	[spmem:s3] =	stream.indirect.scatter.add.f32 [tilespmem:s17], [sflag:$0x2], $0x80, s13, s26, $0xb8;
	[tilespmem:$0x1EC00] =	vst v63  }
0x13d: {  	_ =	swait.ge [sflag:s24], $0x4000  }
0x13e: {  	[sflag:s24] =	ssyncset.done $0x0  }
0x13f: {  	s14 =	simm.s32 $0x1900;
	[sflag:s24] =	ssyncadd.s32 $0xFFFFC000  }
0x140: {  	[spmem:s3] =	stream.indirect.scatter.add.f32 [tilespmem:s17], [sflag:$0x1], $0x80, s14, s26, $0xb8;
	[tilespmem:$0x1EC00] =	vst v63  }
0x141: {  	_ =	swait.ge [sflag:s25], $0x4000  }
0x142: {  	s10 =	simm.s32 $0xFFFFBC00;
	s2 =	simm.s32 $0xFFFFEE00;
	[sflag:s25] =	ssyncset.done $0x0  }
.LBB2_12:
0x143: {  	s12 =	sadd.s32 $0x2B80, s2  }
0x144: {  	[sflag:s25] =	ssyncadd.s32 $0xFFFFC000;
	s13 =	smov.u32 s10;
	s14 =	sadd.s32 $0x400, s10  }
0x145: {  	[spmem:s3] =	stream.indirect.scatter.add.f32 [tilespmem:s17], [sflag:$0x2], $0x80, s12, s26, $0xb8;
	[tilespmem:$0x1EC00] =	vst v63  }
0x146: {  	p0 =	sne.s32 s10, $0xFFFFFC00;
	_ =	swait.ge [sflag:s24], $0x4000  }
.Ltmp5:
0x147: {  	[sflag:s24] =	ssyncset.done $0x0;
	(pc) =	sbr.rel @p0 .LBB2_12-.Ltmp5, $4  }
0x148: {  	s2 =	sadd.s32 $0x2C00, s2;
	[sflag:s24] =	ssyncadd.s32 $0xFFFFC000  }
0x149: {  	[spmem:s3] =	stream.indirect.scatter.add.f32 [tilespmem:s17], [sflag:$0x1], $0x80, s2, s26, $0xb8;
	[tilespmem:$0x1EC00] =	vst v63  }
0x14a: {  	_ =	swait.ge [sflag:s25], $0x4000  }
0x14b: {  	s10 =	smov.u32 s14;
	s2 =	sshra.s32 s13, $0x2;
	[sflag:s25] =	ssyncset.done $0x0  }
0x14c: {  	s10 =	sadd.s32 $0x2B80, s2;
	[sflag:s25] =	ssyncadd.s32 $0xFFFFC000  }
0x14d: {  	[spmem:s3] =	stream.indirect.scatter.add.f32 [tilespmem:s17], [sflag:$0x2], $0x80, s10, s26, $0xb8;
	[tilespmem:$0x1EC00] =	vst v63  }
0x14e: {  	_ =	swait.ge [sflag:s24], $0x4000  }
0x14f: {  	[sflag:s24] =	ssyncset.done $0x0  }
0x150: {  	s10 =	sadd.s32 $0x2C00, s2;
	[sflag:s24] =	ssyncadd.s32 $0xFFFFC000  }
0x151: {  	[spmem:s3] =	stream.indirect.scatter.add.f32 [tilespmem:s17], [sflag:$0x1], $0x80, s10, s26, $0xb8;
	[tilespmem:$0x1EC00] =	vst v63  }
0x152: {  	_ =	swait.ge [sflag:s25], $0x4000  }
0x153: {  	[sflag:s25] =	ssyncset.done $0x0  }
0x154: {  	[sflag:s25] =	ssyncadd.s32 $0xFFFFC000  }
0x155: {  	[spmem:s3] =	stream.indirect.scatter.add.f32 [tilespmem:s17], [sflag:$0x2], $0x80, s30, s26, $0xb8;
	[tilespmem:$0x1EC00] =	vst v63  }
0x156: {  	_ =	swait.ge [sflag:s24], $0x4000  }
0x157: {  	[sflag:s24] =	ssyncset.done $0x0  }
0x158: {  	[sflag:s24] =	ssyncadd.s32 $0xFFFFC000  }
0x159: {  	_ =	swait.ge [sflag:s25], $0x4000  }
0x15a: {  	[sflag:s25] =	ssyncset.done $0x0  }
0x15b: {  	s12 =	simm.s32 $0x0;
	[sflag:s25] =	ssyncadd.s32 $0xFFFFC000  }
0x15c: {  	[tilespmem:s19], [sflag:$0x5] =	stream.linear.gather [hbm4b:s11+s12], $0x1400, $0x38;
	[tilespmem:$0x1EC00] =	vst v63  }
0x15d: {  	_ =	swait.ge [sflag:s18], $0x1400  }
0x15e: {  	[sflag:s18] =	ssyncset.done $0x0  }
0x15f: {  	[sflag:s18] =	ssyncadd.s32 $0xFFFFEC00  }
0x160: {  	[spmem:s3] =	stream.indirect.scatter.add.f32 [tilespmem:s17], [sflag:$0x1], $0x80, s19, s26, $0xb8;
	[tilespmem:$0x1EC00] =	vst v63  }
0x161: {  	s13 =	simm.s32 $0x1880  }
0x162: {  	[spmem:s3] =	stream.indirect.scatter.add.f32 [tilespmem:s17], [sflag:$0x2], $0x80, s13, s26, $0xb8;
	[tilespmem:$0x1EC00] =	vst v63  }
0x163: {  	_ =	swait.ge [sflag:s24], $0x4000  }
0x164: {  	[sflag:s24] =	ssyncset.done $0x0  }
0x165: {  	s14 =	simm.s32 $0x1900;
	[sflag:s24] =	ssyncadd.s32 $0xFFFFC000  }
0x166: {  	[spmem:s3] =	stream.indirect.scatter.add.f32 [tilespmem:s17], [sflag:$0x1], $0x80, s14, s26, $0xb8;
	[tilespmem:$0x1EC00] =	vst v63  }
0x167: {  	_ =	swait.ge [sflag:s25], $0x4000  }
0x168: {  	s2 =	simm.s32 $0xFFFFEE00;
	s10 =	simm.s32 $0xFFFFBC00;
	[sflag:s25] =	ssyncset.done $0x0  }
.LBB2_14:
0x169: {  	s12 =	sadd.s32 $0x2B80, s2  }
0x16a: {  	[sflag:s25] =	ssyncadd.s32 $0xFFFFC000;
	s13 =	smov.u32 s10;
	s14 =	sadd.s32 $0x400, s10  }
0x16b: {  	[spmem:s3] =	stream.indirect.scatter.add.f32 [tilespmem:s17], [sflag:$0x2], $0x80, s12, s26, $0xb8;
	[tilespmem:$0x1EC00] =	vst v63  }
0x16c: {  	p0 =	sne.s32 s10, $0xFFFFFC00;
	_ =	swait.ge [sflag:s24], $0x4000  }
.Ltmp6:
0x16d: {  	[sflag:s24] =	ssyncset.done $0x0;
	(pc) =	sbr.rel @p0 .LBB2_14-.Ltmp6, $4  }
0x16e: {  	s2 =	sadd.s32 $0x2C00, s2;
	[sflag:s24] =	ssyncadd.s32 $0xFFFFC000  }
0x16f: {  	[spmem:s3] =	stream.indirect.scatter.add.f32 [tilespmem:s17], [sflag:$0x1], $0x80, s2, s26, $0xb8;
	[tilespmem:$0x1EC00] =	vst v63  }
0x170: {  	_ =	swait.ge [sflag:s25], $0x4000  }
0x171: {  	s10 =	smov.u32 s14;
	s2 =	sshra.s32 s13, $0x2;
	[sflag:s25] =	ssyncset.done $0x0  }
0x172: {  	s10 =	sadd.s32 $0x2B80, s2;
	[sflag:s25] =	ssyncadd.s32 $0xFFFFC000  }
0x173: {  	[spmem:s3] =	stream.indirect.scatter.add.f32 [tilespmem:s17], [sflag:$0x2], $0x80, s10, s26, $0xb8;
	[tilespmem:$0x1EC00] =	vst v63  }
0x174: {  	_ =	swait.ge [sflag:s24], $0x4000  }
0x175: {  	[sflag:s24] =	ssyncset.done $0x0  }
0x176: {  	s14 =	sadd.s32 $0x2C00, s2;
	[sflag:s24] =	ssyncadd.s32 $0xFFFFC000  }
0x177: {  	[spmem:s3] =	stream.indirect.scatter.add.f32 [tilespmem:s17], [sflag:$0x1], $0x80, s14, s26, $0xb8;
	[tilespmem:$0x1EC00] =	vst v63  }
0x178: {  	_ =	swait.ge [sflag:s25], $0x4000  }
0x179: {  	[sflag:s25] =	ssyncset.done $0x0  }
0x17a: {  	[sflag:s25] =	ssyncadd.s32 $0xFFFFC000  }
0x17b: {  	[spmem:s3] =	stream.indirect.scatter.add.f32 [tilespmem:s17], [sflag:$0x2], $0x80, s30, s26, $0xb8;
	[tilespmem:$0x1EC00] =	vst v63  }
0x17c: {  	_ =	swait.ge [sflag:s24], $0x4000  }
0x17d: {  	[sflag:s24] =	ssyncset.done $0x0  }
0x17e: {  	[sflag:s24] =	ssyncadd.s32 $0xFFFFC000  }
0x17f: {  	_ =	swait.ge [sflag:s25], $0x4000  }
0x180: {  	s31 =	sadd.s32 $0x1, s31;
	[sflag:s25] =	ssyncset.done $0x0  }
0x181: {  	p0 =	sne.s32 s31, s16;
	[sflag:s25] =	ssyncadd.s32 $0xFFFFC000  }
.Ltmp7:
0x182: {  	[bflag:$0x0] =	sbarrier.arrive $0xFFFF;
	(pc) =	sbr.rel @p0 .LBB2_1-.Ltmp7, $4  }
0x183: {  	[hbm:s15], [sflag:s1] =	dma.local [spmem:s4], $0x2800  }
0x184: {  	_ =	swait.ge [sflag:s18], $0x2800  }
0x185: {  	[sflag:s18] =	ssyncset.done $0x0  }
0x186: {  	[sflag:s18] =	ssyncadd.s32 $0xFFFFD800  }
0x187: {  	_ =	sfence.sel $0x180000  }
0x188: {  	[bflag:$0x0] =	sbarrier.arrive $0xFFFF  }
0x189: {  	_ =	strace $0x90000047  }
0x18a: {  	s0 =	stileid.u32;
	[bflag:$0x2] =	sbarrier.arrive $0xFFFF  }
0x18b: {  	p0 =	sne.s32 s0, $0x0;
	s0 =	rddreg [dreg:$0x4]  }
0x18c: {  	s0 =	sadd.s32 @!p0 $0x100000, s0  }
0x18d: {  	[sflag:s0] =	ssyncadd.tile.s32 @!p0 $0x1;
	_ =	shalt  }
.Lfunc_end2:
_tile_overlayer_lowered:
.L_overlay_start_2:
0x18e: {  	(tag) =	ssettag $0x2  }
0x18f: {  	s0 =	rddreg [dreg:$0x0];
	s2 =	stileid.u32  }
0x190: {  	s1 =	rddreg [dreg:$0x1];
	p0 =	sne.s32 s2, $0x0  }
0x191: {  	s3 =	rddreg [dreg:$0x2];
	[bflag:$0x3] =	sbarrier.arrive $0xFFFF;
	s2 =	simm.s32 @!p0 $0x1C05  }
0x192: {  	[timem:s3], [sflag:s2] =	dma.local @!p0 [hbm:s0], s1  }
0x193: {  	s0 =	simm.s32 @!p0 $0x5  }
0x194: {  	_ =	swait.ge @!p0 [sflag:s0], s1  }
0x195: {  	s1 =	ssub.s32 @!p0 $0x0, s1;
	[sflag:s0] =	ssyncset.done @!p0 $0x0  }
0x196: {  	[sflag:s0] =	ssyncadd.s32 @!p0 s1  }
0x197: {  	[bflag:$0x3] =	sbarrier.arrive $0xFFFF  }
0x198: {  	_ =	shalt  }

</sc_bundles>
